<compile_context>
chip_gen: v7x
topology: tpu7x:2x2x1
jax: 0.10.2.dev20260603
libtpu: 0.0.44.dev20260713+nightly
codegen_flags: <defaults>
</compile_context>

<pallas_src>
import functools

import jax
import jax.numpy as jnp
from jax import lax
from jax.experimental import pallas as pl
from jax.experimental.pallas import tpu as pltpu
from jax.experimental.pallas import tpu_sc as plsc

_NC = 2
_NS = 16
_NW = _NC * _NS
_L = 16
_C = 16384
_U = 8


def _make_sc_quantize(n):
    per_w = n // _NW
    nchunks = per_w // _C
    assert per_w % _C == 0 and nchunks % 2 == 0

    mesh = plsc.VectorSubcoreMesh(core_axis_name="c", subcore_axis_name="s")

    @functools.partial(
        pl.kernel,
        out_type=jax.ShapeDtypeStruct((n,), jnp.float32),
        mesh=mesh,
        scratch_types=[
            pltpu.VMEM((16, _L), jnp.float32),
            pltpu.VMEM((_C,), jnp.float32),
            pltpu.VMEM((_C,), jnp.float32),
            pltpu.VMEM((_C,), jnp.float32),
            pltpu.VMEM((_C,), jnp.float32),
            pltpu.SemaphoreType.DMA,
            pltpu.SemaphoreType.DMA,
            pltpu.SemaphoreType.DMA,
            pltpu.SemaphoreType.DMA,
            pltpu.SemaphoreType.DMA,
        ],
    )
    def quantize(x_hbm, tab_hbm, o_hbm, tab_v, in0, in1, out0, out1,
                 sem_t, si0, si1, so0, so1):
        wid = lax.axis_index("s") * _NC + lax.axis_index("c")
        base = wid * per_w

        pltpu.async_copy(tab_hbm, tab_v, sem_t).wait()
        m = [tab_v[i] for i in range(7)]
        v = [tab_v[7 + i] for i in range(8)]

        ins = (in0, in1)
        outs = (out0, out1)
        sis = (si0, si1)
        sos = (so0, so1)

        def start_in(chunk, slot):
            pltpu.make_async_copy(
                x_hbm.at[pl.ds(base + chunk * _C, _C)], ins[slot], sis[slot]
            ).start()

        def wait_in(slot):
            pltpu.make_async_copy(
                x_hbm.at[pl.ds(base, _C)], ins[slot], sis[slot]
            ).wait()

        def start_out(chunk, slot):
            pltpu.make_async_copy(
                outs[slot], o_hbm.at[pl.ds(base + chunk * _C, _C)], sos[slot]
            ).start()

        def wait_out(slot):
            pltpu.make_async_copy(
                outs[slot], o_hbm.at[pl.ds(base, _C)], sos[slot]
            ).wait()

        def compute(slot):
            src = ins[slot]
            dst = outs[slot]

            def cbody(i, carry):
                b = i * (_L * _U)
                for u in range(_U):
                    xv = src[pl.ds(b + u * _L, _L)]
                    acc = v[0]
                    for j in range(7):
                        acc = jnp.where(xv > m[j], v[j + 1], acc)
                    dst[pl.ds(b + u * _L, _L)] = acc
                return carry

            lax.fori_loop(0, _C // (_L * _U), cbody, 0, unroll=False)

        start_in(0, 0)
        start_in(1, 1)

        def pair_body(g, carry):
            for slot in range(2):
                chunk = 2 * g + slot
                wait_in(slot)

                @pl.when(g > 0)
                def _():
                    wait_out(slot)

                compute(slot)

                @pl.when(chunk + 2 < nchunks)
                def _():
                    start_in(chunk + 2, slot)

                start_out(chunk, slot)
            return carry

        lax.fori_loop(0, nchunks // 2, pair_body, 0, unroll=False)
        wait_out(0)
        wait_out(1)

    return quantize


@jax.jit
def kernel(x, fp3_values):
    sv = jnp.sort(fp3_values.astype(jnp.float32))
    mids = (sv[:-1] + sv[1:]) * jnp.float32(0.5)
    col = jnp.concatenate([mids, sv, jnp.zeros((1,), jnp.float32)])
    tab = jnp.broadcast_to(col[:, None], (16, _L))

    n = x.size
    flat = x.reshape(n)
    out = _make_sc_quantize(n)(flat, tab)
    return out.reshape(x.shape)

# --- scband reference (transcript-rebuilt; emitter-appended) ---
"""Pipeline reference for scband-learnable-fp3-activation-19267223289874 (READ-ONLY COPY).

The authoritative reference and input builder live on the scoring server;
editing this copy changes nothing except your own understanding.
"""

import jax, jax.numpy as jnp
import numpy as np


def _quantize(x, vals):
    # vals must be sorted ascending
    idx = jnp.searchsorted(vals, x, side='left')
    idx = jnp.clip(idx, 1, vals.shape[0] - 1)
    high = vals[idx]
    low = vals[idx - 1]
    dist_high = jnp.abs(x - high)
    dist_low = jnp.abs(x - low)
    return jnp.where(dist_low <= dist_high, low, high)


def setup_inputs(seed: int = 0) -> dict:
    key = jax.random.key(seed)
    kx, _ = jax.random.split(key)
    x = jax.random.normal(kx, (4, 8192, 2048), dtype=jnp.float32)
    # learned parameter, initialized exactly like the torch module
    fp3_values = jnp.array([-1.0, -0.25, 0.0, 0.25, 0.5, 1.0, 2.0, 4.0], dtype=jnp.float32)
    return {"x": x, "fp3_values": fp3_values}


def reference(x, fp3_values):
    sorted_vals = jnp.sort(fp3_values)
    return _quantize(x, sorted_vals)

if __name__ == "__main__":
    import jax
    _d = setup_inputs()
    print(jax.jit(kernel)(*tuple(_d.values())))

</pallas_src>

<mosaic_0001>
#map = affine_map<(d0, d1) -> (0)>
#map1 = affine_map<(d0, d1) -> (0, 0)>
module attributes {stable_mosaic.version = 14 : i64} {
  func.func @quantize(%arg0: i32, %arg1: i32, %arg2: memref<67108864xf32, #tpu.memory_space<hbm>>, %arg3: memref<16x16xf32, #tpu.memory_space<hbm>>, %arg4: memref<67108864xf32, #tpu.memory_space<hbm>>, %arg5: memref<16x16xf32, #tpu.memory_space<vmem>>, %arg6: memref<16384xf32, #tpu.memory_space<vmem>>, %arg7: memref<16384xf32, #tpu.memory_space<vmem>>, %arg8: memref<16384xf32, #tpu.memory_space<vmem>>, %arg9: memref<16384xf32, #tpu.memory_space<vmem>>, %arg10: memref<!tpu.dma_semaphore, #tpu.memory_space<semaphore_mem>>, %arg11: memref<!tpu.dma_semaphore, #tpu.memory_space<semaphore_mem>>, %arg12: memref<!tpu.dma_semaphore, #tpu.memory_space<semaphore_mem>>, %arg13: memref<!tpu.dma_semaphore, #tpu.memory_space<semaphore_mem>>, %arg14: memref<!tpu.dma_semaphore, #tpu.memory_space<semaphore_mem>>) attributes {dimension_semantics = [#tpu.dimension_semantics<core_parallel>, #tpu.dimension_semantics<subcore_parallel>], iteration_bounds = array<i64: 2, 16>, scalar_prefetch = 0 : i64, scratch_operands = 10 : i64, tpu.core_type = #tpu.core_type<sc_vector_subcore>, window_params = [{transform_indices = #map}, {transform_indices = #map1}, {transform_indices = #map}]} {
    %mul3A = arith.constant 2 : i32
    %mul3A_0 = arith.muli %arg1, %mul3A : i32
    %add3A = arith.addi %mul3A_0, %arg0 : i32
    %mul3A_1 = arith.constant 2097152 : i32
    %mul3A_2 = arith.muli %add3A, %mul3A_1 : i32
    tpu.enqueue_dma source(%arg3 : memref<16x16xf32, #tpu.memory_space<hbm>>) target(%arg5 : memref<16x16xf32, #tpu.memory_space<vmem>>) target_semaphore(%arg10 : memref<!tpu.dma_semaphore, #tpu.memory_space<semaphore_mem>>)
    tpu.wait_dma2 semaphore(%arg10 : memref<!tpu.dma_semaphore, #tpu.memory_space<semaphore_mem>>) src(%arg3 : memref<16x16xf32, #tpu.memory_space<hbm>>) dst(%arg5 : memref<16x16xf32, #tpu.memory_space<vmem>>)
    %get3A = arith.constant 0 : i32
    %get3A_3 = arith.index_cast %get3A : i32 to index
    %get3A_4 = arith.constant 0 : index
    %get3A_5 = tpu.vector_load %arg5[%get3A_3, %get3A_4] {strides = array<i32>} : memref<16x16xf32, #tpu.memory_space<vmem>>, vector<1x16xf32>,
    %get3A_6 = vector.shape_cast %get3A_5 : vector<1x16xf32> to vector<16xf32>
    %get3A_7 = arith.constant 1 : i32
    %get3A_8 = arith.index_cast %get3A_7 : i32 to index
    %get3A_9 = arith.constant 0 : index
    %get3A_10 = tpu.vector_load %arg5[%get3A_8, %get3A_9] {strides = array<i32>} : memref<16x16xf32, #tpu.memory_space<vmem>>, vector<1x16xf32>,
    %get3A_11 = vector.shape_cast %get3A_10 : vector<1x16xf32> to vector<16xf32>
    %get3A_12 = arith.constant 2 : i32
    %get3A_13 = arith.index_cast %get3A_12 : i32 to index
    %get3A_14 = arith.constant 0 : index
    %get3A_15 = tpu.vector_load %arg5[%get3A_13, %get3A_14] {strides = array<i32>} : memref<16x16xf32, #tpu.memory_space<vmem>>, vector<1x16xf32>,
    %get3A_16 = vector.shape_cast %get3A_15 : vector<1x16xf32> to vector<16xf32>
    %get3A_17 = arith.constant 3 : i32
    %get3A_18 = arith.index_cast %get3A_17 : i32 to index
    %get3A_19 = arith.constant 0 : index
    %get3A_20 = tpu.vector_load %arg5[%get3A_18, %get3A_19] {strides = array<i32>} : memref<16x16xf32, #tpu.memory_space<vmem>>, vector<1x16xf32>,
    %get3A_21 = vector.shape_cast %get3A_20 : vector<1x16xf32> to vector<16xf32>
    %get3A_22 = arith.constant 4 : i32
    %get3A_23 = arith.index_cast %get3A_22 : i32 to index
    %get3A_24 = arith.constant 0 : index
    %get3A_25 = tpu.vector_load %arg5[%get3A_23, %get3A_24] {strides = array<i32>} : memref<16x16xf32, #tpu.memory_space<vmem>>, vector<1x16xf32>,
    %get3A_26 = vector.shape_cast %get3A_25 : vector<1x16xf32> to vector<16xf32>
    %get3A_27 = arith.constant 5 : i32
    %get3A_28 = arith.index_cast %get3A_27 : i32 to index
    %get3A_29 = arith.constant 0 : index
    %get3A_30 = tpu.vector_load %arg5[%get3A_28, %get3A_29] {strides = array<i32>} : memref<16x16xf32, #tpu.memory_space<vmem>>, vector<1x16xf32>,
    %get3A_31 = vector.shape_cast %get3A_30 : vector<1x16xf32> to vector<16xf32>
    %get3A_32 = arith.constant 6 : i32
    %get3A_33 = arith.index_cast %get3A_32 : i32 to index
    %get3A_34 = arith.constant 0 : index
    %get3A_35 = tpu.vector_load %arg5[%get3A_33, %get3A_34] {strides = array<i32>} : memref<16x16xf32, #tpu.memory_space<vmem>>, vector<1x16xf32>,
    %get3A_36 = vector.shape_cast %get3A_35 : vector<1x16xf32> to vector<16xf32>
    %get3A_37 = arith.constant 7 : i32
    %get3A_38 = arith.index_cast %get3A_37 : i32 to index
    %get3A_39 = arith.constant 0 : index
    %get3A_40 = tpu.vector_load %arg5[%get3A_38, %get3A_39] {strides = array<i32>} : memref<16x16xf32, #tpu.memory_space<vmem>>, vector<1x16xf32>,
    %get3A_41 = vector.shape_cast %get3A_40 : vector<1x16xf32> to vector<16xf32>
    %get3A_42 = arith.constant 8 : i32
    %get3A_43 = arith.index_cast %get3A_42 : i32 to index
    %get3A_44 = arith.constant 0 : index
    %get3A_45 = tpu.vector_load %arg5[%get3A_43, %get3A_44] {strides = array<i32>} : memref<16x16xf32, #tpu.memory_space<vmem>>, vector<1x16xf32>,
    %get3A_46 = vector.shape_cast %get3A_45 : vector<1x16xf32> to vector<16xf32>
    %get3A_47 = arith.constant 9 : i32
    %get3A_48 = arith.index_cast %get3A_47 : i32 to index
    %get3A_49 = arith.constant 0 : index
    %get3A_50 = tpu.vector_load %arg5[%get3A_48, %get3A_49] {strides = array<i32>} : memref<16x16xf32, #tpu.memory_space<vmem>>, vector<1x16xf32>,
    %get3A_51 = vector.shape_cast %get3A_50 : vector<1x16xf32> to vector<16xf32>
    %get3A_52 = arith.constant 10 : i32
    %get3A_53 = arith.index_cast %get3A_52 : i32 to index
    %get3A_54 = arith.constant 0 : index
    %get3A_55 = tpu.vector_load %arg5[%get3A_53, %get3A_54] {strides = array<i32>} : memref<16x16xf32, #tpu.memory_space<vmem>>, vector<1x16xf32>,
    %get3A_56 = vector.shape_cast %get3A_55 : vector<1x16xf32> to vector<16xf32>
    %get3A_57 = arith.constant 11 : i32
    %get3A_58 = arith.index_cast %get3A_57 : i32 to index
    %get3A_59 = arith.constant 0 : index
    %get3A_60 = tpu.vector_load %arg5[%get3A_58, %get3A_59] {strides = array<i32>} : memref<16x16xf32, #tpu.memory_space<vmem>>, vector<1x16xf32>,
    %get3A_61 = vector.shape_cast %get3A_60 : vector<1x16xf32> to vector<16xf32>
    %get3A_62 = arith.constant 12 : i32
    %get3A_63 = arith.index_cast %get3A_62 : i32 to index
    %get3A_64 = arith.constant 0 : index
    %get3A_65 = tpu.vector_load %arg5[%get3A_63, %get3A_64] {strides = array<i32>} : memref<16x16xf32, #tpu.memory_space<vmem>>, vector<1x16xf32>,
    %get3A_66 = vector.shape_cast %get3A_65 : vector<1x16xf32> to vector<16xf32>
    %get3A_67 = arith.constant 13 : i32
    %get3A_68 = arith.index_cast %get3A_67 : i32 to index
    %get3A_69 = arith.constant 0 : index
    %get3A_70 = tpu.vector_load %arg5[%get3A_68, %get3A_69] {strides = array<i32>} : memref<16x16xf32, #tpu.memory_space<vmem>>, vector<1x16xf32>,
    %get3A_71 = vector.shape_cast %get3A_70 : vector<1x16xf32> to vector<16xf32>
    %get3A_72 = arith.constant 14 : i32
    %get3A_73 = arith.index_cast %get3A_72 : i32 to index
    %get3A_74 = arith.constant 0 : index
    %get3A_75 = tpu.vector_load %arg5[%get3A_73, %get3A_74] {strides = array<i32>} : memref<16x16xf32, #tpu.memory_space<vmem>>, vector<1x16xf32>,
    %get3A_76 = vector.shape_cast %get3A_75 : vector<1x16xf32> to vector<16xf32>
    %add3A_77 = arith.constant 0 : i32
    %add3A_78 = arith.addi %mul3A_2, %add3A_77 : i32
    %dma_start3A = tpu.memref_slice %arg2[%add3A_78] : memref<67108864xf32, #tpu.memory_space<hbm>> -> memref<16384xf32, #tpu.memory_space<hbm>>
    %dma_start3A_79 = tpu.memref_slice %arg2[%add3A_78] : memref<67108864xf32, #tpu.memory_space<hbm>> -> memref<16384xf32, #tpu.memory_space<hbm>>
    tpu.enqueue_dma source(%dma_start3A_79 : memref<16384xf32, #tpu.memory_space<hbm>>) target(%arg6 : memref<16384xf32, #tpu.memory_space<vmem>>) target_semaphore(%arg11 : memref<!tpu.dma_semaphore, #tpu.memory_space<semaphore_mem>>)
    %add3A_80 = arith.constant 16384 : i32
    %add3A_81 = arith.addi %mul3A_2, %add3A_80 : i32
    %dma_start3A_82 = tpu.memref_slice %arg2[%add3A_81] : memref<67108864xf32, #tpu.memory_space<hbm>> -> memref<16384xf32, #tpu.memory_space<hbm>>
    %dma_start3A_83 = tpu.memref_slice %arg2[%add3A_81] : memref<67108864xf32, #tpu.memory_space<hbm>> -> memref<16384xf32, #tpu.memory_space<hbm>>
    tpu.enqueue_dma source(%dma_start3A_83 : memref<16384xf32, #tpu.memory_space<hbm>>) target(%arg7 : memref<16384xf32, #tpu.memory_space<vmem>>) target_semaphore(%arg12 : memref<!tpu.dma_semaphore, #tpu.memory_space<semaphore_mem>>)
    %scan3A = arith.constant 0 : i32
    %scan3A_84 = arith.constant 0 : i32
    %scan3A_85 = arith.constant 64 : i32
    %scan3A_86 = arith.addi %scan3A_84, %scan3A_85 : i32
    %scan3A_87 = arith.constant 1 : i32
    scf.for %scan3A_92 = %scan3A_84 to %scan3A_86 step %scan3A_87  : i32 {
      %mul3A_93 = arith.constant 2 : i32
      %mul3A_94 = arith.muli %mul3A_93, %scan3A_92 : i32
      %add3A_95 = arith.constant 0 : i32
      %add3A_96 = arith.addi %mul3A_94, %add3A_95 : i32
      %dma_wait3A_97 = tpu.memref_slice %arg2[%mul3A_2] : memref<67108864xf32, #tpu.memory_space<hbm>> -> memref<16384xf32, #tpu.memory_space<hbm>>
      %dma_wait3A_98 = tpu.memref_slice %arg2[%mul3A_2] : memref<67108864xf32, #tpu.memory_space<hbm>> -> memref<16384xf32, #tpu.memory_space<hbm>>
      tpu.wait_dma2 semaphore(%arg11 : memref<!tpu.dma_semaphore, #tpu.memory_space<semaphore_mem>>) src(%dma_wait3A_98 : memref<16384xf32, #tpu.memory_space<hbm>>) dst(%arg6 : memref<16384xf32, #tpu.memory_space<vmem>>)
      %gt3A = arith.constant 0 : i32
      %gt3A_99 = arith.cmpi sgt, %scan3A_92, %gt3A : i32
      %convert_element_type3A = arith.extui %gt3A_99 : i1 to i32
      %cond3A = arith.constant 0 : i32
      %cond3A_100 = arith.cmpi ne, %convert_element_type3A, %cond3A : i32
      scf.if %cond3A_100 {
        %dma_wait3A_147 = tpu.memref_slice %arg4[%mul3A_2] : memref<67108864xf32, #tpu.memory_space<hbm>> -> memref<16384xf32, #tpu.memory_space<hbm>>
        %dma_wait3A_148 = tpu.memref_slice %arg4[%mul3A_2] : memref<67108864xf32, #tpu.memory_space<hbm>> -> memref<16384xf32, #tpu.memory_space<hbm>>
        tpu.wait_dma2 semaphore(%arg13 : memref<!tpu.dma_semaphore, #tpu.memory_space<semaphore_mem>>) src(%arg8 : memref<16384xf32, #tpu.memory_space<vmem>>) dst(%dma_wait3A_148 : memref<16384xf32, #tpu.memory_space<hbm>>)
      } else {
      }
      %scan3A_101 = arith.constant 0 : i32
      %scan3A_102 = arith.constant 0 : i32
      %scan3A_103 = arith.constant 128 : i32
      %scan3A_104 = arith.addi %scan3A_102, %scan3A_103 : i32
      %scan3A_105 = arith.constant 1 : i32
      scf.for %scan3A_147 = %scan3A_102 to %scan3A_104 step %scan3A_105  : i32 {
        %mul3A_148 = arith.constant 128 : i32
        %mul3A_149 = arith.muli %scan3A_147, %mul3A_148 : i32
        %add3A_150 = arith.constant 0 : i32
        %add3A_151 = arith.addi %mul3A_149, %add3A_150 : i32
        %get3A_152 = arith.index_cast %add3A_151 : i32 to index
        %get3A_153 = tpu.vector_load %arg6[%get3A_152] {strides = array<i32>} : memref<16384xf32, #tpu.memory_space<vmem>>, vector<16xf32>,
        %get3A_154 = vector.shape_cast %get3A_153 : vector<16xf32> to vector<16xf32>
        %gt3A_155 = arith.cmpf ogt, %get3A_154, %get3A_6 : vector<16xf32>
        %select_n3A = arith.select %gt3A_155, %get3A_46, %get3A_41 : vector<16xi1>, vector<16xf32>
        %gt3A_156 = arith.cmpf ogt, %get3A_154, %get3A_11 : vector<16xf32>
        %select_n3A_157 = arith.select %gt3A_156, %get3A_51, %select_n3A : vector<16xi1>, vector<16xf32>
        %gt3A_158 = arith.cmpf ogt, %get3A_154, %get3A_16 : vector<16xf32>
        %select_n3A_159 = arith.select %gt3A_158, %get3A_56, %select_n3A_157 : vector<16xi1>, vector<16xf32>
        %gt3A_160 = arith.cmpf ogt, %get3A_154, %get3A_21 : vector<16xf32>
        %select_n3A_161 = arith.select %gt3A_160, %get3A_61, %select_n3A_159 : vector<16xi1>, vector<16xf32>
        %gt3A_162 = arith.cmpf ogt, %get3A_154, %get3A_26 : vector<16xf32>
        %select_n3A_163 = arith.select %gt3A_162, %get3A_66, %select_n3A_161 : vector<16xi1>, vector<16xf32>
        %gt3A_164 = arith.cmpf ogt, %get3A_154, %get3A_31 : vector<16xf32>
        %select_n3A_165 = arith.select %gt3A_164, %get3A_71, %select_n3A_163 : vector<16xi1>, vector<16xf32>
        %gt3A_166 = arith.cmpf ogt, %get3A_154, %get3A_36 : vector<16xf32>
        %select_n3A_167 = arith.select %gt3A_166, %get3A_76, %select_n3A_165 : vector<16xi1>, vector<16xf32>
        %add3A_168 = arith.constant 0 : i32
        %add3A_169 = arith.addi %mul3A_149, %add3A_168 : i32
        %swap3A = arith.index_cast %add3A_169 : i32 to index
        %swap3A_170 = tpu.vector_load %arg8[%swap3A] {strides = array<i32>} : memref<16384xf32, #tpu.memory_space<vmem>>, vector<16xf32>,
        %swap3A_171 = vector.shape_cast %swap3A_170 : vector<16xf32> to vector<16xf32>
        %swap3A_172 = vector.shape_cast %select_n3A_167 : vector<16xf32> to vector<16xf32>
        tpu.vector_store %arg8[%swap3A], %swap3A_172 {strides = array<i32>} : memref<16384xf32, #tpu.memory_space<vmem>>, vector<16xf32>,
        %add3A_173 = arith.constant 16 : i32
        %add3A_174 = arith.addi %mul3A_149, %add3A_173 : i32
        %get3A_175 = arith.index_cast %add3A_174 : i32 to index
        %get3A_176 = tpu.vector_load %arg6[%get3A_175] {strides = array<i32>} : memref<16384xf32, #tpu.memory_space<vmem>>, vector<16xf32>,
        %get3A_177 = vector.shape_cast %get3A_176 : vector<16xf32> to vector<16xf32>
        %gt3A_178 = arith.cmpf ogt, %get3A_177, %get3A_6 : vector<16xf32>
        %select_n3A_179 = arith.select %gt3A_178, %get3A_46, %get3A_41 : vector<16xi1>, vector<16xf32>
        %gt3A_180 = arith.cmpf ogt, %get3A_177, %get3A_11 : vector<16xf32>
        %select_n3A_181 = arith.select %gt3A_180, %get3A_51, %select_n3A_179 : vector<16xi1>, vector<16xf32>
        %gt3A_182 = arith.cmpf ogt, %get3A_177, %get3A_16 : vector<16xf32>
        %select_n3A_183 = arith.select %gt3A_182, %get3A_56, %select_n3A_181 : vector<16xi1>, vector<16xf32>
        %gt3A_184 = arith.cmpf ogt, %get3A_177, %get3A_21 : vector<16xf32>
        %select_n3A_185 = arith.select %gt3A_184, %get3A_61, %select_n3A_183 : vector<16xi1>, vector<16xf32>
        %gt3A_186 = arith.cmpf ogt, %get3A_177, %get3A_26 : vector<16xf32>
        %select_n3A_187 = arith.select %gt3A_186, %get3A_66, %select_n3A_185 : vector<16xi1>, vector<16xf32>
        %gt3A_188 = arith.cmpf ogt, %get3A_177, %get3A_31 : vector<16xf32>
        %select_n3A_189 = arith.select %gt3A_188, %get3A_71, %select_n3A_187 : vector<16xi1>, vector<16xf32>
        %gt3A_190 = arith.cmpf ogt, %get3A_177, %get3A_36 : vector<16xf32>
        %select_n3A_191 = arith.select %gt3A_190, %get3A_76, %select_n3A_189 : vector<16xi1>, vector<16xf32>
        %add3A_192 = arith.constant 16 : i32
        %add3A_193 = arith.addi %mul3A_149, %add3A_192 : i32
        %swap3A_194 = arith.index_cast %add3A_193 : i32 to index
        %swap3A_195 = tpu.vector_load %arg8[%swap3A_194] {strides = array<i32>} : memref<16384xf32, #tpu.memory_space<vmem>>, vector<16xf32>,
        %swap3A_196 = vector.shape_cast %swap3A_195 : vector<16xf32> to vector<16xf32>
        %swap3A_197 = vector.shape_cast %select_n3A_191 : vector<16xf32> to vector<16xf32>
        tpu.vector_store %arg8[%swap3A_194], %swap3A_197 {strides = array<i32>} : memref<16384xf32, #tpu.memory_space<vmem>>, vector<16xf32>,
        %add3A_198 = arith.constant 32 : i32
        %add3A_199 = arith.addi %mul3A_149, %add3A_198 : i32
        %get3A_200 = arith.index_cast %add3A_199 : i32 to index
        %get3A_201 = tpu.vector_load %arg6[%get3A_200] {strides = array<i32>} : memref<16384xf32, #tpu.memory_space<vmem>>, vector<16xf32>,
        %get3A_202 = vector.shape_cast %get3A_201 : vector<16xf32> to vector<16xf32>
        %gt3A_203 = arith.cmpf ogt, %get3A_202, %get3A_6 : vector<16xf32>
        %select_n3A_204 = arith.select %gt3A_203, %get3A_46, %get3A_41 : vector<16xi1>, vector<16xf32>
        %gt3A_205 = arith.cmpf ogt, %get3A_202, %get3A_11 : vector<16xf32>
        %select_n3A_206 = arith.select %gt3A_205, %get3A_51, %select_n3A_204 : vector<16xi1>, vector<16xf32>
        %gt3A_207 = arith.cmpf ogt, %get3A_202, %get3A_16 : vector<16xf32>
        %select_n3A_208 = arith.select %gt3A_207, %get3A_56, %select_n3A_206 : vector<16xi1>, vector<16xf32>
        %gt3A_209 = arith.cmpf ogt, %get3A_202, %get3A_21 : vector<16xf32>
        %select_n3A_210 = arith.select %gt3A_209, %get3A_61, %select_n3A_208 : vector<16xi1>, vector<16xf32>
        %gt3A_211 = arith.cmpf ogt, %get3A_202, %get3A_26 : vector<16xf32>
        %select_n3A_212 = arith.select %gt3A_211, %get3A_66, %select_n3A_210 : vector<16xi1>, vector<16xf32>
        %gt3A_213 = arith.cmpf ogt, %get3A_202, %get3A_31 : vector<16xf32>
        %select_n3A_214 = arith.select %gt3A_213, %get3A_71, %select_n3A_212 : vector<16xi1>, vector<16xf32>
        %gt3A_215 = arith.cmpf ogt, %get3A_202, %get3A_36 : vector<16xf32>
        %select_n3A_216 = arith.select %gt3A_215, %get3A_76, %select_n3A_214 : vector<16xi1>, vector<16xf32>
        %add3A_217 = arith.constant 32 : i32
        %add3A_218 = arith.addi %mul3A_149, %add3A_217 : i32
        %swap3A_219 = arith.index_cast %add3A_218 : i32 to index
        %swap3A_220 = tpu.vector_load %arg8[%swap3A_219] {strides = array<i32>} : memref<16384xf32, #tpu.memory_space<vmem>>, vector<16xf32>,
        %swap3A_221 = vector.shape_cast %swap3A_220 : vector<16xf32> to vector<16xf32>
        %swap3A_222 = vector.shape_cast %select_n3A_216 : vector<16xf32> to vector<16xf32>
        tpu.vector_store %arg8[%swap3A_219], %swap3A_222 {strides = array<i32>} : memref<16384xf32, #tpu.memory_space<vmem>>, vector<16xf32>,
        %add3A_223 = arith.constant 48 : i32
        %add3A_224 = arith.addi %mul3A_149, %add3A_223 : i32
        %get3A_225 = arith.index_cast %add3A_224 : i32 to index
        %get3A_226 = tpu.vector_load %arg6[%get3A_225] {strides = array<i32>} : memref<16384xf32, #tpu.memory_space<vmem>>, vector<16xf32>,
        %get3A_227 = vector.shape_cast %get3A_226 : vector<16xf32> to vector<16xf32>
        %gt3A_228 = arith.cmpf ogt, %get3A_227, %get3A_6 : vector<16xf32>
        %select_n3A_229 = arith.select %gt3A_228, %get3A_46, %get3A_41 : vector<16xi1>, vector<16xf32>
        %gt3A_230 = arith.cmpf ogt, %get3A_227, %get3A_11 : vector<16xf32>
        %select_n3A_231 = arith.select %gt3A_230, %get3A_51, %select_n3A_229 : vector<16xi1>, vector<16xf32>
        %gt3A_232 = arith.cmpf ogt, %get3A_227, %get3A_16 : vector<16xf32>
        %select_n3A_233 = arith.select %gt3A_232, %get3A_56, %select_n3A_231 : vector<16xi1>, vector<16xf32>
        %gt3A_234 = arith.cmpf ogt, %get3A_227, %get3A_21 : vector<16xf32>
        %select_n3A_235 = arith.select %gt3A_234, %get3A_61, %select_n3A_233 : vector<16xi1>, vector<16xf32>
        %gt3A_236 = arith.cmpf ogt, %get3A_227, %get3A_26 : vector<16xf32>
        %select_n3A_237 = arith.select %gt3A_236, %get3A_66, %select_n3A_235 : vector<16xi1>, vector<16xf32>
        %gt3A_238 = arith.cmpf ogt, %get3A_227, %get3A_31 : vector<16xf32>
        %select_n3A_239 = arith.select %gt3A_238, %get3A_71, %select_n3A_237 : vector<16xi1>, vector<16xf32>
        %gt3A_240 = arith.cmpf ogt, %get3A_227, %get3A_36 : vector<16xf32>
        %select_n3A_241 = arith.select %gt3A_240, %get3A_76, %select_n3A_239 : vector<16xi1>, vector<16xf32>
        %add3A_242 = arith.constant 48 : i32
        %add3A_243 = arith.addi %mul3A_149, %add3A_242 : i32
        %swap3A_244 = arith.index_cast %add3A_243 : i32 to index
        %swap3A_245 = tpu.vector_load %arg8[%swap3A_244] {strides = array<i32>} : memref<16384xf32, #tpu.memory_space<vmem>>, vector<16xf32>,
        %swap3A_246 = vector.shape_cast %swap3A_245 : vector<16xf32> to vector<16xf32>
        %swap3A_247 = vector.shape_cast %select_n3A_241 : vector<16xf32> to vector<16xf32>
        tpu.vector_store %arg8[%swap3A_244], %swap3A_247 {strides = array<i32>} : memref<16384xf32, #tpu.memory_space<vmem>>, vector<16xf32>,
        %add3A_248 = arith.constant 64 : i32
        %add3A_249 = arith.addi %mul3A_149, %add3A_248 : i32
        %get3A_250 = arith.index_cast %add3A_249 : i32 to index
        %get3A_251 = tpu.vector_load %arg6[%get3A_250] {strides = array<i32>} : memref<16384xf32, #tpu.memory_space<vmem>>, vector<16xf32>,
        %get3A_252 = vector.shape_cast %get3A_251 : vector<16xf32> to vector<16xf32>
        %gt3A_253 = arith.cmpf ogt, %get3A_252, %get3A_6 : vector<16xf32>
        %select_n3A_254 = arith.select %gt3A_253, %get3A_46, %get3A_41 : vector<16xi1>, vector<16xf32>
        %gt3A_255 = arith.cmpf ogt, %get3A_252, %get3A_11 : vector<16xf32>
        %select_n3A_256 = arith.select %gt3A_255, %get3A_51, %select_n3A_254 : vector<16xi1>, vector<16xf32>
        %gt3A_257 = arith.cmpf ogt, %get3A_252, %get3A_16 : vector<16xf32>
        %select_n3A_258 = arith.select %gt3A_257, %get3A_56, %select_n3A_256 : vector<16xi1>, vector<16xf32>
        %gt3A_259 = arith.cmpf ogt, %get3A_252, %get3A_21 : vector<16xf32>
        %select_n3A_260 = arith.select %gt3A_259, %get3A_61, %select_n3A_258 : vector<16xi1>, vector<16xf32>
        %gt3A_261 = arith.cmpf ogt, %get3A_252, %get3A_26 : vector<16xf32>
        %select_n3A_262 = arith.select %gt3A_261, %get3A_66, %select_n3A_260 : vector<16xi1>, vector<16xf32>
        %gt3A_263 = arith.cmpf ogt, %get3A_252, %get3A_31 : vector<16xf32>
        %select_n3A_264 = arith.select %gt3A_263, %get3A_71, %select_n3A_262 : vector<16xi1>, vector<16xf32>
        %gt3A_265 = arith.cmpf ogt, %get3A_252, %get3A_36 : vector<16xf32>
        %select_n3A_266 = arith.select %gt3A_265, %get3A_76, %select_n3A_264 : vector<16xi1>, vector<16xf32>
        %add3A_267 = arith.constant 64 : i32
        %add3A_268 = arith.addi %mul3A_149, %add3A_267 : i32
        %swap3A_269 = arith.index_cast %add3A_268 : i32 to index
        %swap3A_270 = tpu.vector_load %arg8[%swap3A_269] {strides = array<i32>} : memref<16384xf32, #tpu.memory_space<vmem>>, vector<16xf32>,
        %swap3A_271 = vector.shape_cast %swap3A_270 : vector<16xf32> to vector<16xf32>
        %swap3A_272 = vector.shape_cast %select_n3A_266 : vector<16xf32> to vector<16xf32>
        tpu.vector_store %arg8[%swap3A_269], %swap3A_272 {strides = array<i32>} : memref<16384xf32, #tpu.memory_space<vmem>>, vector<16xf32>,
        %add3A_273 = arith.constant 80 : i32
        %add3A_274 = arith.addi %mul3A_149, %add3A_273 : i32
        %get3A_275 = arith.index_cast %add3A_274 : i32 to index
        %get3A_276 = tpu.vector_load %arg6[%get3A_275] {strides = array<i32>} : memref<16384xf32, #tpu.memory_space<vmem>>, vector<16xf32>,
        %get3A_277 = vector.shape_cast %get3A_276 : vector<16xf32> to vector<16xf32>
        %gt3A_278 = arith.cmpf ogt, %get3A_277, %get3A_6 : vector<16xf32>
        %select_n3A_279 = arith.select %gt3A_278, %get3A_46, %get3A_41 : vector<16xi1>, vector<16xf32>
        %gt3A_280 = arith.cmpf ogt, %get3A_277, %get3A_11 : vector<16xf32>
        %select_n3A_281 = arith.select %gt3A_280, %get3A_51, %select_n3A_279 : vector<16xi1>, vector<16xf32>
        %gt3A_282 = arith.cmpf ogt, %get3A_277, %get3A_16 : vector<16xf32>
        %select_n3A_283 = arith.select %gt3A_282, %get3A_56, %select_n3A_281 : vector<16xi1>, vector<16xf32>
        %gt3A_284 = arith.cmpf ogt, %get3A_277, %get3A_21 : vector<16xf32>
        %select_n3A_285 = arith.select %gt3A_284, %get3A_61, %select_n3A_283 : vector<16xi1>, vector<16xf32>
        %gt3A_286 = arith.cmpf ogt, %get3A_277, %get3A_26 : vector<16xf32>
        %select_n3A_287 = arith.select %gt3A_286, %get3A_66, %select_n3A_285 : vector<16xi1>, vector<16xf32>
        %gt3A_288 = arith.cmpf ogt, %get3A_277, %get3A_31 : vector<16xf32>
        %select_n3A_289 = arith.select %gt3A_288, %get3A_71, %select_n3A_287 : vector<16xi1>, vector<16xf32>
        %gt3A_290 = arith.cmpf ogt, %get3A_277, %get3A_36 : vector<16xf32>
        %select_n3A_291 = arith.select %gt3A_290, %get3A_76, %select_n3A_289 : vector<16xi1>, vector<16xf32>
        %add3A_292 = arith.constant 80 : i32
        %add3A_293 = arith.addi %mul3A_149, %add3A_292 : i32
        %swap3A_294 = arith.index_cast %add3A_293 : i32 to index
        %swap3A_295 = tpu.vector_load %arg8[%swap3A_294] {strides = array<i32>} : memref<16384xf32, #tpu.memory_space<vmem>>, vector<16xf32>,
        %swap3A_296 = vector.shape_cast %swap3A_295 : vector<16xf32> to vector<16xf32>
        %swap3A_297 = vector.shape_cast %select_n3A_291 : vector<16xf32> to vector<16xf32>
        tpu.vector_store %arg8[%swap3A_294], %swap3A_297 {strides = array<i32>} : memref<16384xf32, #tpu.memory_space<vmem>>, vector<16xf32>,
        %add3A_298 = arith.constant 96 : i32
        %add3A_299 = arith.addi %mul3A_149, %add3A_298 : i32
        %get3A_300 = arith.index_cast %add3A_299 : i32 to index
        %get3A_301 = tpu.vector_load %arg6[%get3A_300] {strides = array<i32>} : memref<16384xf32, #tpu.memory_space<vmem>>, vector<16xf32>,
        %get3A_302 = vector.shape_cast %get3A_301 : vector<16xf32> to vector<16xf32>
        %gt3A_303 = arith.cmpf ogt, %get3A_302, %get3A_6 : vector<16xf32>
        %select_n3A_304 = arith.select %gt3A_303, %get3A_46, %get3A_41 : vector<16xi1>, vector<16xf32>
        %gt3A_305 = arith.cmpf ogt, %get3A_302, %get3A_11 : vector<16xf32>
        %select_n3A_306 = arith.select %gt3A_305, %get3A_51, %select_n3A_304 : vector<16xi1>, vector<16xf32>
        %gt3A_307 = arith.cmpf ogt, %get3A_302, %get3A_16 : vector<16xf32>
        %select_n3A_308 = arith.select %gt3A_307, %get3A_56, %select_n3A_306 : vector<16xi1>, vector<16xf32>
        %gt3A_309 = arith.cmpf ogt, %get3A_302, %get3A_21 : vector<16xf32>
        %select_n3A_310 = arith.select %gt3A_309, %get3A_61, %select_n3A_308 : vector<16xi1>, vector<16xf32>
        %gt3A_311 = arith.cmpf ogt, %get3A_302, %get3A_26 : vector<16xf32>
        %select_n3A_312 = arith.select %gt3A_311, %get3A_66, %select_n3A_310 : vector<16xi1>, vector<16xf32>
        %gt3A_313 = arith.cmpf ogt, %get3A_302, %get3A_31 : vector<16xf32>
        %select_n3A_314 = arith.select %gt3A_313, %get3A_71, %select_n3A_312 : vector<16xi1>, vector<16xf32>
        %gt3A_315 = arith.cmpf ogt, %get3A_302, %get3A_36 : vector<16xf32>
        %select_n3A_316 = arith.select %gt3A_315, %get3A_76, %select_n3A_314 : vector<16xi1>, vector<16xf32>
        %add3A_317 = arith.constant 96 : i32
        %add3A_318 = arith.addi %mul3A_149, %add3A_317 : i32
        %swap3A_319 = arith.index_cast %add3A_318 : i32 to index
        %swap3A_320 = tpu.vector_load %arg8[%swap3A_319] {strides = array<i32>} : memref<16384xf32, #tpu.memory_space<vmem>>, vector<16xf32>,
        %swap3A_321 = vector.shape_cast %swap3A_320 : vector<16xf32> to vector<16xf32>
        %swap3A_322 = vector.shape_cast %select_n3A_316 : vector<16xf32> to vector<16xf32>
        tpu.vector_store %arg8[%swap3A_319], %swap3A_322 {strides = array<i32>} : memref<16384xf32, #tpu.memory_space<vmem>>, vector<16xf32>,
        %add3A_323 = arith.constant 112 : i32
        %add3A_324 = arith.addi %mul3A_149, %add3A_323 : i32
        %get3A_325 = arith.index_cast %add3A_324 : i32 to index
        %get3A_326 = tpu.vector_load %arg6[%get3A_325] {strides = array<i32>} : memref<16384xf32, #tpu.memory_space<vmem>>, vector<16xf32>,
        %get3A_327 = vector.shape_cast %get3A_326 : vector<16xf32> to vector<16xf32>
        %gt3A_328 = arith.cmpf ogt, %get3A_327, %get3A_6 : vector<16xf32>
        %select_n3A_329 = arith.select %gt3A_328, %get3A_46, %get3A_41 : vector<16xi1>, vector<16xf32>
        %gt3A_330 = arith.cmpf ogt, %get3A_327, %get3A_11 : vector<16xf32>
        %select_n3A_331 = arith.select %gt3A_330, %get3A_51, %select_n3A_329 : vector<16xi1>, vector<16xf32>
        %gt3A_332 = arith.cmpf ogt, %get3A_327, %get3A_16 : vector<16xf32>
        %select_n3A_333 = arith.select %gt3A_332, %get3A_56, %select_n3A_331 : vector<16xi1>, vector<16xf32>
        %gt3A_334 = arith.cmpf ogt, %get3A_327, %get3A_21 : vector<16xf32>
        %select_n3A_335 = arith.select %gt3A_334, %get3A_61, %select_n3A_333 : vector<16xi1>, vector<16xf32>
        %gt3A_336 = arith.cmpf ogt, %get3A_327, %get3A_26 : vector<16xf32>
        %select_n3A_337 = arith.select %gt3A_336, %get3A_66, %select_n3A_335 : vector<16xi1>, vector<16xf32>
        %gt3A_338 = arith.cmpf ogt, %get3A_327, %get3A_31 : vector<16xf32>
        %select_n3A_339 = arith.select %gt3A_338, %get3A_71, %select_n3A_337 : vector<16xi1>, vector<16xf32>
        %gt3A_340 = arith.cmpf ogt, %get3A_327, %get3A_36 : vector<16xf32>
        %select_n3A_341 = arith.select %gt3A_340, %get3A_76, %select_n3A_339 : vector<16xi1>, vector<16xf32>
        %add3A_342 = arith.constant 112 : i32
        %add3A_343 = arith.addi %mul3A_149, %add3A_342 : i32
        %swap3A_344 = arith.index_cast %add3A_343 : i32 to index
        %swap3A_345 = tpu.vector_load %arg8[%swap3A_344] {strides = array<i32>} : memref<16384xf32, #tpu.memory_space<vmem>>, vector<16xf32>,
        %swap3A_346 = vector.shape_cast %swap3A_345 : vector<16xf32> to vector<16xf32>
        %swap3A_347 = vector.shape_cast %select_n3A_341 : vector<16xf32> to vector<16xf32>
        tpu.vector_store %arg8[%swap3A_344], %swap3A_347 {strides = array<i32>} : memref<16384xf32, #tpu.memory_space<vmem>>, vector<16xf32>,
      }
      %scan3A_106 = arith.constant 128 : i32
      %add3A_107 = arith.constant 2 : i32
      %add3A_108 = arith.addi %add3A_96, %add3A_107 : i32
      %lt3A = arith.constant 128 : i32
      %lt3A_109 = arith.cmpi slt, %add3A_108, %lt3A : i32
      %convert_element_type3A_110 = arith.extui %lt3A_109 : i1 to i32
      %cond3A_111 = arith.constant 0 : i32
      %cond3A_112 = arith.cmpi ne, %convert_element_type3A_110, %cond3A_111 : i32
      scf.if %cond3A_112 {
        %add3A_147 = arith.constant 2 : i32
        %add3A_148 = arith.addi %add3A_96, %add3A_147 : i32
        %mul3A_149 = arith.constant 16384 : i32
        %mul3A_150 = arith.muli %add3A_148, %mul3A_149 : i32
        %add3A_151 = arith.addi %mul3A_2, %mul3A_150 : i32
        %dma_start3A_152 = tpu.memref_slice %arg2[%add3A_151] : memref<67108864xf32, #tpu.memory_space<hbm>> -> memref<16384xf32, #tpu.memory_space<hbm>>
        %dma_start3A_153 = tpu.memref_slice %arg2[%add3A_151] : memref<67108864xf32, #tpu.memory_space<hbm>> -> memref<16384xf32, #tpu.memory_space<hbm>>
        tpu.enqueue_dma source(%dma_start3A_153 : memref<16384xf32, #tpu.memory_space<hbm>>) target(%arg6 : memref<16384xf32, #tpu.memory_space<vmem>>) target_semaphore(%arg11 : memref<!tpu.dma_semaphore, #tpu.memory_space<semaphore_mem>>)
      } else {
      }
      %mul3A_113 = arith.constant 16384 : i32
      %mul3A_114 = arith.muli %add3A_96, %mul3A_113 : i32
      %add3A_115 = arith.addi %mul3A_2, %mul3A_114 : i32
      %dma_start3A_116 = tpu.memref_slice %arg4[%add3A_115] : memref<67108864xf32, #tpu.memory_space<hbm>> -> memref<16384xf32, #tpu.memory_space<hbm>>
      %dma_start3A_117 = tpu.memref_slice %arg4[%add3A_115] : memref<67108864xf32, #tpu.memory_space<hbm>> -> memref<16384xf32, #tpu.memory_space<hbm>>
      tpu.enqueue_dma source(%arg8 : memref<16384xf32, #tpu.memory_space<vmem>>) target(%dma_start3A_117 : memref<16384xf32, #tpu.memory_space<hbm>>) target_semaphore(%arg13 : memref<!tpu.dma_semaphore, #tpu.memory_space<semaphore_mem>>)
      %mul3A_118 = arith.constant 2 : i32
      %mul3A_119 = arith.muli %mul3A_118, %scan3A_92 : i32
      %add3A_120 = arith.constant 1 : i32
      %add3A_121 = arith.addi %mul3A_119, %add3A_120 : i32
      %dma_wait3A_122 = tpu.memref_slice %arg2[%mul3A_2] : memref<67108864xf32, #tpu.memory_space<hbm>> -> memref<16384xf32, #tpu.memory_space<hbm>>
      %dma_wait3A_123 = tpu.memref_slice %arg2[%mul3A_2] : memref<67108864xf32, #tpu.memory_space<hbm>> -> memref<16384xf32, #tpu.memory_space<hbm>>
      tpu.wait_dma2 semaphore(%arg12 : memref<!tpu.dma_semaphore, #tpu.memory_space<semaphore_mem>>) src(%dma_wait3A_123 : memref<16384xf32, #tpu.memory_space<hbm>>) dst(%arg7 : memref<16384xf32, #tpu.memory_space<vmem>>)
      %gt3A_124 = arith.constant 0 : i32
      %gt3A_125 = arith.cmpi sgt, %scan3A_92, %gt3A_124 : i32
      %convert_element_type3A_126 = arith.extui %gt3A_125 : i1 to i32
      %cond3A_127 = arith.constant 0 : i32
      %cond3A_128 = arith.cmpi ne, %convert_element_type3A_126, %cond3A_127 : i32
      scf.if %cond3A_128 {
        %dma_wait3A_147 = tpu.memref_slice %arg4[%mul3A_2] : memref<67108864xf32, #tpu.memory_space<hbm>> -> memref<16384xf32, #tpu.memory_space<hbm>>
        %dma_wait3A_148 = tpu.memref_slice %arg4[%mul3A_2] : memref<67108864xf32, #tpu.memory_space<hbm>> -> memref<16384xf32, #tpu.memory_space<hbm>>
        tpu.wait_dma2 semaphore(%arg14 : memref<!tpu.dma_semaphore, #tpu.memory_space<semaphore_mem>>) src(%arg9 : memref<16384xf32, #tpu.memory_space<vmem>>) dst(%dma_wait3A_148 : memref<16384xf32, #tpu.memory_space<hbm>>)
      } else {
      }
      %scan3A_129 = arith.constant 0 : i32
      %scan3A_130 = arith.constant 0 : i32
      %scan3A_131 = arith.constant 128 : i32
      %scan3A_132 = arith.addi %scan3A_130, %scan3A_131 : i32
      %scan3A_133 = arith.constant 1 : i32
      scf.for %scan3A_147 = %scan3A_130 to %scan3A_132 step %scan3A_133  : i32 {
        %mul3A_148 = arith.constant 128 : i32
        %mul3A_149 = arith.muli %scan3A_147, %mul3A_148 : i32
        %add3A_150 = arith.constant 0 : i32
        %add3A_151 = arith.addi %mul3A_149, %add3A_150 : i32
        %get3A_152 = arith.index_cast %add3A_151 : i32 to index
        %get3A_153 = tpu.vector_load %arg7[%get3A_152] {strides = array<i32>} : memref<16384xf32, #tpu.memory_space<vmem>>, vector<16xf32>,
        %get3A_154 = vector.shape_cast %get3A_153 : vector<16xf32> to vector<16xf32>
        %gt3A_155 = arith.cmpf ogt, %get3A_154, %get3A_6 : vector<16xf32>
        %select_n3A = arith.select %gt3A_155, %get3A_46, %get3A_41 : vector<16xi1>, vector<16xf32>
        %gt3A_156 = arith.cmpf ogt, %get3A_154, %get3A_11 : vector<16xf32>
        %select_n3A_157 = arith.select %gt3A_156, %get3A_51, %select_n3A : vector<16xi1>, vector<16xf32>
        %gt3A_158 = arith.cmpf ogt, %get3A_154, %get3A_16 : vector<16xf32>
        %select_n3A_159 = arith.select %gt3A_158, %get3A_56, %select_n3A_157 : vector<16xi1>, vector<16xf32>
        %gt3A_160 = arith.cmpf ogt, %get3A_154, %get3A_21 : vector<16xf32>
        %select_n3A_161 = arith.select %gt3A_160, %get3A_61, %select_n3A_159 : vector<16xi1>, vector<16xf32>
        %gt3A_162 = arith.cmpf ogt, %get3A_154, %get3A_26 : vector<16xf32>
        %select_n3A_163 = arith.select %gt3A_162, %get3A_66, %select_n3A_161 : vector<16xi1>, vector<16xf32>
        %gt3A_164 = arith.cmpf ogt, %get3A_154, %get3A_31 : vector<16xf32>
        %select_n3A_165 = arith.select %gt3A_164, %get3A_71, %select_n3A_163 : vector<16xi1>, vector<16xf32>
        %gt3A_166 = arith.cmpf ogt, %get3A_154, %get3A_36 : vector<16xf32>
        %select_n3A_167 = arith.select %gt3A_166, %get3A_76, %select_n3A_165 : vector<16xi1>, vector<16xf32>
        %add3A_168 = arith.constant 0 : i32
        %add3A_169 = arith.addi %mul3A_149, %add3A_168 : i32
        %swap3A = arith.index_cast %add3A_169 : i32 to index
        %swap3A_170 = tpu.vector_load %arg9[%swap3A] {strides = array<i32>} : memref<16384xf32, #tpu.memory_space<vmem>>, vector<16xf32>,
        %swap3A_171 = vector.shape_cast %swap3A_170 : vector<16xf32> to vector<16xf32>
        %swap3A_172 = vector.shape_cast %select_n3A_167 : vector<16xf32> to vector<16xf32>
        tpu.vector_store %arg9[%swap3A], %swap3A_172 {strides = array<i32>} : memref<16384xf32, #tpu.memory_space<vmem>>, vector<16xf32>,
        %add3A_173 = arith.constant 16 : i32
        %add3A_174 = arith.addi %mul3A_149, %add3A_173 : i32
        %get3A_175 = arith.index_cast %add3A_174 : i32 to index
        %get3A_176 = tpu.vector_load %arg7[%get3A_175] {strides = array<i32>} : memref<16384xf32, #tpu.memory_space<vmem>>, vector<16xf32>,
        %get3A_177 = vector.shape_cast %get3A_176 : vector<16xf32> to vector<16xf32>
        %gt3A_178 = arith.cmpf ogt, %get3A_177, %get3A_6 : vector<16xf32>
        %select_n3A_179 = arith.select %gt3A_178, %get3A_46, %get3A_41 : vector<16xi1>, vector<16xf32>
        %gt3A_180 = arith.cmpf ogt, %get3A_177, %get3A_11 : vector<16xf32>
        %select_n3A_181 = arith.select %gt3A_180, %get3A_51, %select_n3A_179 : vector<16xi1>, vector<16xf32>
        %gt3A_182 = arith.cmpf ogt, %get3A_177, %get3A_16 : vector<16xf32>
        %select_n3A_183 = arith.select %gt3A_182, %get3A_56, %select_n3A_181 : vector<16xi1>, vector<16xf32>
        %gt3A_184 = arith.cmpf ogt, %get3A_177, %get3A_21 : vector<16xf32>
        %select_n3A_185 = arith.select %gt3A_184, %get3A_61, %select_n3A_183 : vector<16xi1>, vector<16xf32>
        %gt3A_186 = arith.cmpf ogt, %get3A_177, %get3A_26 : vector<16xf32>
        %select_n3A_187 = arith.select %gt3A_186, %get3A_66, %select_n3A_185 : vector<16xi1>, vector<16xf32>
        %gt3A_188 = arith.cmpf ogt, %get3A_177, %get3A_31 : vector<16xf32>
        %select_n3A_189 = arith.select %gt3A_188, %get3A_71, %select_n3A_187 : vector<16xi1>, vector<16xf32>
        %gt3A_190 = arith.cmpf ogt, %get3A_177, %get3A_36 : vector<16xf32>
        %select_n3A_191 = arith.select %gt3A_190, %get3A_76, %select_n3A_189 : vector<16xi1>, vector<16xf32>
        %add3A_192 = arith.constant 16 : i32
        %add3A_193 = arith.addi %mul3A_149, %add3A_192 : i32
        %swap3A_194 = arith.index_cast %add3A_193 : i32 to index
        %swap3A_195 = tpu.vector_load %arg9[%swap3A_194] {strides = array<i32>} : memref<16384xf32, #tpu.memory_space<vmem>>, vector<16xf32>,
        %swap3A_196 = vector.shape_cast %swap3A_195 : vector<16xf32> to vector<16xf32>
        %swap3A_197 = vector.shape_cast %select_n3A_191 : vector<16xf32> to vector<16xf32>
        tpu.vector_store %arg9[%swap3A_194], %swap3A_197 {strides = array<i32>} : memref<16384xf32, #tpu.memory_space<vmem>>, vector<16xf32>,
        %add3A_198 = arith.constant 32 : i32
        %add3A_199 = arith.addi %mul3A_149, %add3A_198 : i32
        %get3A_200 = arith.index_cast %add3A_199 : i32 to index
        %get3A_201 = tpu.vector_load %arg7[%get3A_200] {strides = array<i32>} : memref<16384xf32, #tpu.memory_space<vmem>>, vector<16xf32>,
        %get3A_202 = vector.shape_cast %get3A_201 : vector<16xf32> to vector<16xf32>
        %gt3A_203 = arith.cmpf ogt, %get3A_202, %get3A_6 : vector<16xf32>
        %select_n3A_204 = arith.select %gt3A_203, %get3A_46, %get3A_41 : vector<16xi1>, vector<16xf32>
        %gt3A_205 = arith.cmpf ogt, %get3A_202, %get3A_11 : vector<16xf32>
        %select_n3A_206 = arith.select %gt3A_205, %get3A_51, %select_n3A_204 : vector<16xi1>, vector<16xf32>
        %gt3A_207 = arith.cmpf ogt, %get3A_202, %get3A_16 : vector<16xf32>
        %select_n3A_208 = arith.select %gt3A_207, %get3A_56, %select_n3A_206 : vector<16xi1>, vector<16xf32>
        %gt3A_209 = arith.cmpf ogt, %get3A_202, %get3A_21 : vector<16xf32>
        %select_n3A_210 = arith.select %gt3A_209, %get3A_61, %select_n3A_208 : vector<16xi1>, vector<16xf32>
        %gt3A_211 = arith.cmpf ogt, %get3A_202, %get3A_26 : vector<16xf32>
        %select_n3A_212 = arith.select %gt3A_211, %get3A_66, %select_n3A_210 : vector<16xi1>, vector<16xf32>
        %gt3A_213 = arith.cmpf ogt, %get3A_202, %get3A_31 : vector<16xf32>
        %select_n3A_214 = arith.select %gt3A_213, %get3A_71, %select_n3A_212 : vector<16xi1>, vector<16xf32>
        %gt3A_215 = arith.cmpf ogt, %get3A_202, %get3A_36 : vector<16xf32>
        %select_n3A_216 = arith.select %gt3A_215, %get3A_76, %select_n3A_214 : vector<16xi1>, vector<16xf32>
        %add3A_217 = arith.constant 32 : i32
        %add3A_218 = arith.addi %mul3A_149, %add3A_217 : i32
        %swap3A_219 = arith.index_cast %add3A_218 : i32 to index
        %swap3A_220 = tpu.vector_load %arg9[%swap3A_219] {strides = array<i32>} : memref<16384xf32, #tpu.memory_space<vmem>>, vector<16xf32>,
        %swap3A_221 = vector.shape_cast %swap3A_220 : vector<16xf32> to vector<16xf32>
        %swap3A_222 = vector.shape_cast %select_n3A_216 : vector<16xf32> to vector<16xf32>
        tpu.vector_store %arg9[%swap3A_219], %swap3A_222 {strides = array<i32>} : memref<16384xf32, #tpu.memory_space<vmem>>, vector<16xf32>,
        %add3A_223 = arith.constant 48 : i32
        %add3A_224 = arith.addi %mul3A_149, %add3A_223 : i32
        %get3A_225 = arith.index_cast %add3A_224 : i32 to index
        %get3A_226 = tpu.vector_load %arg7[%get3A_225] {strides = array<i32>} : memref<16384xf32, #tpu.memory_space<vmem>>, vector<16xf32>,
        %get3A_227 = vector.shape_cast %get3A_226 : vector<16xf32> to vector<16xf32>
        %gt3A_228 = arith.cmpf ogt, %get3A_227, %get3A_6 : vector<16xf32>
        %select_n3A_229 = arith.select %gt3A_228, %get3A_46, %get3A_41 : vector<16xi1>, vector<16xf32>
        %gt3A_230 = arith.cmpf ogt, %get3A_227, %get3A_11 : vector<16xf32>
        %select_n3A_231 = arith.select %gt3A_230, %get3A_51, %select_n3A_229 : vector<16xi1>, vector<16xf32>
        %gt3A_232 = arith.cmpf ogt, %get3A_227, %get3A_16 : vector<16xf32>
        %select_n3A_233 = arith.select %gt3A_232, %get3A_56, %select_n3A_231 : vector<16xi1>, vector<16xf32>
        %gt3A_234 = arith.cmpf ogt, %get3A_227, %get3A_21 : vector<16xf32>
        %select_n3A_235 = arith.select %gt3A_234, %get3A_61, %select_n3A_233 : vector<16xi1>, vector<16xf32>
        %gt3A_236 = arith.cmpf ogt, %get3A_227, %get3A_26 : vector<16xf32>
        %select_n3A_237 = arith.select %gt3A_236, %get3A_66, %select_n3A_235 : vector<16xi1>, vector<16xf32>
        %gt3A_238 = arith.cmpf ogt, %get3A_227, %get3A_31 : vector<16xf32>
        %select_n3A_239 = arith.select %gt3A_238, %get3A_71, %select_n3A_237 : vector<16xi1>, vector<16xf32>
        %gt3A_240 = arith.cmpf ogt, %get3A_227, %get3A_36 : vector<16xf32>
        %select_n3A_241 = arith.select %gt3A_240, %get3A_76, %select_n3A_239 : vector<16xi1>, vector<16xf32>
        %add3A_242 = arith.constant 48 : i32
        %add3A_243 = arith.addi %mul3A_149, %add3A_242 : i32
        %swap3A_244 = arith.index_cast %add3A_243 : i32 to index
        %swap3A_245 = tpu.vector_load %arg9[%swap3A_244] {strides = array<i32>} : memref<16384xf32, #tpu.memory_space<vmem>>, vector<16xf32>,
        %swap3A_246 = vector.shape_cast %swap3A_245 : vector<16xf32> to vector<16xf32>
        %swap3A_247 = vector.shape_cast %select_n3A_241 : vector<16xf32> to vector<16xf32>
        tpu.vector_store %arg9[%swap3A_244], %swap3A_247 {strides = array<i32>} : memref<16384xf32, #tpu.memory_space<vmem>>, vector<16xf32>,
        %add3A_248 = arith.constant 64 : i32
        %add3A_249 = arith.addi %mul3A_149, %add3A_248 : i32
        %get3A_250 = arith.index_cast %add3A_249 : i32 to index
        %get3A_251 = tpu.vector_load %arg7[%get3A_250] {strides = array<i32>} : memref<16384xf32, #tpu.memory_space<vmem>>, vector<16xf32>,
        %get3A_252 = vector.shape_cast %get3A_251 : vector<16xf32> to vector<16xf32>
        %gt3A_253 = arith.cmpf ogt, %get3A_252, %get3A_6 : vector<16xf32>
        %select_n3A_254 = arith.select %gt3A_253, %get3A_46, %get3A_41 : vector<16xi1>, vector<16xf32>
        %gt3A_255 = arith.cmpf ogt, %get3A_252, %get3A_11 : vector<16xf32>
        %select_n3A_256 = arith.select %gt3A_255, %get3A_51, %select_n3A_254 : vector<16xi1>, vector<16xf32>
        %gt3A_257 = arith.cmpf ogt, %get3A_252, %get3A_16 : vector<16xf32>
        %select_n3A_258 = arith.select %gt3A_257, %get3A_56, %select_n3A_256 : vector<16xi1>, vector<16xf32>
        %gt3A_259 = arith.cmpf ogt, %get3A_252, %get3A_21 : vector<16xf32>
        %select_n3A_260 = arith.select %gt3A_259, %get3A_61, %select_n3A_258 : vector<16xi1>, vector<16xf32>
        %gt3A_261 = arith.cmpf ogt, %get3A_252, %get3A_26 : vector<16xf32>
        %select_n3A_262 = arith.select %gt3A_261, %get3A_66, %select_n3A_260 : vector<16xi1>, vector<16xf32>
        %gt3A_263 = arith.cmpf ogt, %get3A_252, %get3A_31 : vector<16xf32>
        %select_n3A_264 = arith.select %gt3A_263, %get3A_71, %select_n3A_262 : vector<16xi1>, vector<16xf32>
        %gt3A_265 = arith.cmpf ogt, %get3A_252, %get3A_36 : vector<16xf32>
        %select_n3A_266 = arith.select %gt3A_265, %get3A_76, %select_n3A_264 : vector<16xi1>, vector<16xf32>
        %add3A_267 = arith.constant 64 : i32
        %add3A_268 = arith.addi %mul3A_149, %add3A_267 : i32
        %swap3A_269 = arith.index_cast %add3A_268 : i32 to index
        %swap3A_270 = tpu.vector_load %arg9[%swap3A_269] {strides = array<i32>} : memref<16384xf32, #tpu.memory_space<vmem>>, vector<16xf32>,
        %swap3A_271 = vector.shape_cast %swap3A_270 : vector<16xf32> to vector<16xf32>
        %swap3A_272 = vector.shape_cast %select_n3A_266 : vector<16xf32> to vector<16xf32>
        tpu.vector_store %arg9[%swap3A_269], %swap3A_272 {strides = array<i32>} : memref<16384xf32, #tpu.memory_space<vmem>>, vector<16xf32>,
        %add3A_273 = arith.constant 80 : i32
        %add3A_274 = arith.addi %mul3A_149, %add3A_273 : i32
        %get3A_275 = arith.index_cast %add3A_274 : i32 to index
        %get3A_276 = tpu.vector_load %arg7[%get3A_275] {strides = array<i32>} : memref<16384xf32, #tpu.memory_space<vmem>>, vector<16xf32>,
        %get3A_277 = vector.shape_cast %get3A_276 : vector<16xf32> to vector<16xf32>
        %gt3A_278 = arith.cmpf ogt, %get3A_277, %get3A_6 : vector<16xf32>
        %select_n3A_279 = arith.select %gt3A_278, %get3A_46, %get3A_41 : vector<16xi1>, vector<16xf32>
        %gt3A_280 = arith.cmpf ogt, %get3A_277, %get3A_11 : vector<16xf32>
        %select_n3A_281 = arith.select %gt3A_280, %get3A_51, %select_n3A_279 : vector<16xi1>, vector<16xf32>
        %gt3A_282 = arith.cmpf ogt, %get3A_277, %get3A_16 : vector<16xf32>
        %select_n3A_283 = arith.select %gt3A_282, %get3A_56, %select_n3A_281 : vector<16xi1>, vector<16xf32>
        %gt3A_284 = arith.cmpf ogt, %get3A_277, %get3A_21 : vector<16xf32>
        %select_n3A_285 = arith.select %gt3A_284, %get3A_61, %select_n3A_283 : vector<16xi1>, vector<16xf32>
        %gt3A_286 = arith.cmpf ogt, %get3A_277, %get3A_26 : vector<16xf32>
        %select_n3A_287 = arith.select %gt3A_286, %get3A_66, %select_n3A_285 : vector<16xi1>, vector<16xf32>
        %gt3A_288 = arith.cmpf ogt, %get3A_277, %get3A_31 : vector<16xf32>
        %select_n3A_289 = arith.select %gt3A_288, %get3A_71, %select_n3A_287 : vector<16xi1>, vector<16xf32>
        %gt3A_290 = arith.cmpf ogt, %get3A_277, %get3A_36 : vector<16xf32>
        %select_n3A_291 = arith.select %gt3A_290, %get3A_76, %select_n3A_289 : vector<16xi1>, vector<16xf32>
        %add3A_292 = arith.constant 80 : i32
        %add3A_293 = arith.addi %mul3A_149, %add3A_292 : i32
        %swap3A_294 = arith.index_cast %add3A_293 : i32 to index
        %swap3A_295 = tpu.vector_load %arg9[%swap3A_294] {strides = array<i32>} : memref<16384xf32, #tpu.memory_space<vmem>>, vector<16xf32>,
        %swap3A_296 = vector.shape_cast %swap3A_295 : vector<16xf32> to vector<16xf32>
        %swap3A_297 = vector.shape_cast %select_n3A_291 : vector<16xf32> to vector<16xf32>
        tpu.vector_store %arg9[%swap3A_294], %swap3A_297 {strides = array<i32>} : memref<16384xf32, #tpu.memory_space<vmem>>, vector<16xf32>,
        %add3A_298 = arith.constant 96 : i32
        %add3A_299 = arith.addi %mul3A_149, %add3A_298 : i32
        %get3A_300 = arith.index_cast %add3A_299 : i32 to index
        %get3A_301 = tpu.vector_load %arg7[%get3A_300] {strides = array<i32>} : memref<16384xf32, #tpu.memory_space<vmem>>, vector<16xf32>,
        %get3A_302 = vector.shape_cast %get3A_301 : vector<16xf32> to vector<16xf32>
        %gt3A_303 = arith.cmpf ogt, %get3A_302, %get3A_6 : vector<16xf32>
        %select_n3A_304 = arith.select %gt3A_303, %get3A_46, %get3A_41 : vector<16xi1>, vector<16xf32>
        %gt3A_305 = arith.cmpf ogt, %get3A_302, %get3A_11 : vector<16xf32>
        %select_n3A_306 = arith.select %gt3A_305, %get3A_51, %select_n3A_304 : vector<16xi1>, vector<16xf32>
        %gt3A_307 = arith.cmpf ogt, %get3A_302, %get3A_16 : vector<16xf32>
        %select_n3A_308 = arith.select %gt3A_307, %get3A_56, %select_n3A_306 : vector<16xi1>, vector<16xf32>
        %gt3A_309 = arith.cmpf ogt, %get3A_302, %get3A_21 : vector<16xf32>
        %select_n3A_310 = arith.select %gt3A_309, %get3A_61, %select_n3A_308 : vector<16xi1>, vector<16xf32>
        %gt3A_311 = arith.cmpf ogt, %get3A_302, %get3A_26 : vector<16xf32>
        %select_n3A_312 = arith.select %gt3A_311, %get3A_66, %select_n3A_310 : vector<16xi1>, vector<16xf32>
        %gt3A_313 = arith.cmpf ogt, %get3A_302, %get3A_31 : vector<16xf32>
        %select_n3A_314 = arith.select %gt3A_313, %get3A_71, %select_n3A_312 : vector<16xi1>, vector<16xf32>
        %gt3A_315 = arith.cmpf ogt, %get3A_302, %get3A_36 : vector<16xf32>
        %select_n3A_316 = arith.select %gt3A_315, %get3A_76, %select_n3A_314 : vector<16xi1>, vector<16xf32>
        %add3A_317 = arith.constant 96 : i32
        %add3A_318 = arith.addi %mul3A_149, %add3A_317 : i32
        %swap3A_319 = arith.index_cast %add3A_318 : i32 to index
        %swap3A_320 = tpu.vector_load %arg9[%swap3A_319] {strides = array<i32>} : memref<16384xf32, #tpu.memory_space<vmem>>, vector<16xf32>,
        %swap3A_321 = vector.shape_cast %swap3A_320 : vector<16xf32> to vector<16xf32>
        %swap3A_322 = vector.shape_cast %select_n3A_316 : vector<16xf32> to vector<16xf32>
        tpu.vector_store %arg9[%swap3A_319], %swap3A_322 {strides = array<i32>} : memref<16384xf32, #tpu.memory_space<vmem>>, vector<16xf32>,
        %add3A_323 = arith.constant 112 : i32
        %add3A_324 = arith.addi %mul3A_149, %add3A_323 : i32
        %get3A_325 = arith.index_cast %add3A_324 : i32 to index
        %get3A_326 = tpu.vector_load %arg7[%get3A_325] {strides = array<i32>} : memref<16384xf32, #tpu.memory_space<vmem>>, vector<16xf32>,
        %get3A_327 = vector.shape_cast %get3A_326 : vector<16xf32> to vector<16xf32>
        %gt3A_328 = arith.cmpf ogt, %get3A_327, %get3A_6 : vector<16xf32>
        %select_n3A_329 = arith.select %gt3A_328, %get3A_46, %get3A_41 : vector<16xi1>, vector<16xf32>
        %gt3A_330 = arith.cmpf ogt, %get3A_327, %get3A_11 : vector<16xf32>
        %select_n3A_331 = arith.select %gt3A_330, %get3A_51, %select_n3A_329 : vector<16xi1>, vector<16xf32>
        %gt3A_332 = arith.cmpf ogt, %get3A_327, %get3A_16 : vector<16xf32>
        %select_n3A_333 = arith.select %gt3A_332, %get3A_56, %select_n3A_331 : vector<16xi1>, vector<16xf32>
        %gt3A_334 = arith.cmpf ogt, %get3A_327, %get3A_21 : vector<16xf32>
        %select_n3A_335 = arith.select %gt3A_334, %get3A_61, %select_n3A_333 : vector<16xi1>, vector<16xf32>
        %gt3A_336 = arith.cmpf ogt, %get3A_327, %get3A_26 : vector<16xf32>
        %select_n3A_337 = arith.select %gt3A_336, %get3A_66, %select_n3A_335 : vector<16xi1>, vector<16xf32>
        %gt3A_338 = arith.cmpf ogt, %get3A_327, %get3A_31 : vector<16xf32>
        %select_n3A_339 = arith.select %gt3A_338, %get3A_71, %select_n3A_337 : vector<16xi1>, vector<16xf32>
        %gt3A_340 = arith.cmpf ogt, %get3A_327, %get3A_36 : vector<16xf32>
        %select_n3A_341 = arith.select %gt3A_340, %get3A_76, %select_n3A_339 : vector<16xi1>, vector<16xf32>
        %add3A_342 = arith.constant 112 : i32
        %add3A_343 = arith.addi %mul3A_149, %add3A_342 : i32
        %swap3A_344 = arith.index_cast %add3A_343 : i32 to index
        %swap3A_345 = tpu.vector_load %arg9[%swap3A_344] {strides = array<i32>} : memref<16384xf32, #tpu.memory_space<vmem>>, vector<16xf32>,
        %swap3A_346 = vector.shape_cast %swap3A_345 : vector<16xf32> to vector<16xf32>
        %swap3A_347 = vector.shape_cast %select_n3A_341 : vector<16xf32> to vector<16xf32>
        tpu.vector_store %arg9[%swap3A_344], %swap3A_347 {strides = array<i32>} : memref<16384xf32, #tpu.memory_space<vmem>>, vector<16xf32>,
      }
      %scan3A_134 = arith.constant 128 : i32
      %add3A_135 = arith.constant 2 : i32
      %add3A_136 = arith.addi %add3A_121, %add3A_135 : i32
      %lt3A_137 = arith.constant 128 : i32
      %lt3A_138 = arith.cmpi slt, %add3A_136, %lt3A_137 : i32
      %convert_element_type3A_139 = arith.extui %lt3A_138 : i1 to i32
      %cond3A_140 = arith.constant 0 : i32
      %cond3A_141 = arith.cmpi ne, %convert_element_type3A_139, %cond3A_140 : i32
      scf.if %cond3A_141 {
        %add3A_147 = arith.constant 2 : i32
        %add3A_148 = arith.addi %add3A_121, %add3A_147 : i32
        %mul3A_149 = arith.constant 16384 : i32
        %mul3A_150 = arith.muli %add3A_148, %mul3A_149 : i32
        %add3A_151 = arith.addi %mul3A_2, %mul3A_150 : i32
        %dma_start3A_152 = tpu.memref_slice %arg2[%add3A_151] : memref<67108864xf32, #tpu.memory_space<hbm>> -> memref<16384xf32, #tpu.memory_space<hbm>>
        %dma_start3A_153 = tpu.memref_slice %arg2[%add3A_151] : memref<67108864xf32, #tpu.memory_space<hbm>> -> memref<16384xf32, #tpu.memory_space<hbm>>
        tpu.enqueue_dma source(%dma_start3A_153 : memref<16384xf32, #tpu.memory_space<hbm>>) target(%arg7 : memref<16384xf32, #tpu.memory_space<vmem>>) target_semaphore(%arg12 : memref<!tpu.dma_semaphore, #tpu.memory_space<semaphore_mem>>)
      } else {
      }
      %mul3A_142 = arith.constant 16384 : i32
      %mul3A_143 = arith.muli %add3A_121, %mul3A_142 : i32
      %add3A_144 = arith.addi %mul3A_2, %mul3A_143 : i32
      %dma_start3A_145 = tpu.memref_slice %arg4[%add3A_144] : memref<67108864xf32, #tpu.memory_space<hbm>> -> memref<16384xf32, #tpu.memory_space<hbm>>
      %dma_start3A_146 = tpu.memref_slice %arg4[%add3A_144] : memref<67108864xf32, #tpu.memory_space<hbm>> -> memref<16384xf32, #tpu.memory_space<hbm>>
      tpu.enqueue_dma source(%arg9 : memref<16384xf32, #tpu.memory_space<vmem>>) target(%dma_start3A_146 : memref<16384xf32, #tpu.memory_space<hbm>>) target_semaphore(%arg14 : memref<!tpu.dma_semaphore, #tpu.memory_space<semaphore_mem>>)
    }
    %scan3A_88 = arith.constant 64 : i32
    %dma_wait3A = tpu.memref_slice %arg4[%mul3A_2] : memref<67108864xf32, #tpu.memory_space<hbm>> -> memref<16384xf32, #tpu.memory_space<hbm>>
    %dma_wait3A_89 = tpu.memref_slice %arg4[%mul3A_2] : memref<67108864xf32, #tpu.memory_space<hbm>> -> memref<16384xf32, #tpu.memory_space<hbm>>
    tpu.wait_dma2 semaphore(%arg13 : memref<!tpu.dma_semaphore, #tpu.memory_space<semaphore_mem>>) src(%arg8 : memref<16384xf32, #tpu.memory_space<vmem>>) dst(%dma_wait3A_89 : memref<16384xf32, #tpu.memory_space<hbm>>)
    %dma_wait3A_90 = tpu.memref_slice %arg4[%mul3A_2] : memref<67108864xf32, #tpu.memory_space<hbm>> -> memref<16384xf32, #tpu.memory_space<hbm>>
    %dma_wait3A_91 = tpu.memref_slice %arg4[%mul3A_2] : memref<67108864xf32, #tpu.memory_space<hbm>> -> memref<16384xf32, #tpu.memory_space<hbm>>
    tpu.wait_dma2 semaphore(%arg14 : memref<!tpu.dma_semaphore, #tpu.memory_space<semaphore_mem>>) src(%arg9 : memref<16384xf32, #tpu.memory_space<vmem>>) dst(%dma_wait3A_91 : memref<16384xf32, #tpu.memory_space<hbm>>)
    return
  }
}

</mosaic_0001>

<sc_bundles>
// kernel: kernel.3.cloned.1.call-start
scs
__scs_entry_jumppad:
0x0: {  	(pc) =	sbr.rel $0x88, $3  }
0x1: {  	(tag) =	ssettag $0x0;
	lr =	simm.s32 $0x1  }
0x2: {  	[smem:$0x3F9F] =	sst lr;
	_ =	strace $0xD0000000  }
0x3: {  	_ = 	snop  }
0x4: {  	_ = 	snop  }
0x5: {  	_ = 	snop  }
0x6: {  	_ = 	snop  }
0x7: {  	_ = 	snop  }
__scs_overlays_trampoline_lowered:
0x8: {  	[smem:$0x3FAE] =	sst s0  }
0x9: {  	[smem:$0x3FAF] =	sst s1  }
0xa: {  	[smem:$0x3FB0] =	sst s2  }
0xb: {  	[smem:$0x3FB1] =	sst s3  }
0xc: {  	[smem:$0x3FB2] =	sst s4  }
0xd: {  	[smem:$0x3FB3] =	sst s5  }
0xe: {  	[smem:$0x3FB4] =	sst s6  }
0xf: {  	[smem:$0x3FB5] =	sst s7  }
0x10: {  	[smem:$0x3FB6] =	sst s8  }
0x11: {  	[smem:$0x3FB7] =	sst s9;
	s0 =	simm.s32 @!p0 $0x0  }
0x12: {  	s1 =	sld [smem:$0x3F9D];
	s0 =	simm.s32 @p0 $0x1  }
0x13: {  	[smem:$0x3FB8] =	sst s0;
	s0 =	simm.s32 @!p1 $0x0  }
0x14: {  	s2 =	sld [smem:$0x3F9C];
	s0 =	simm.s32 @p1 $0x1  }
0x15: {  	[smem:$0x3FB9] =	sst s0;
	s0 =	simm.s32 @!p2 $0x0  }
0x16: {  	s3 =	sld [smem:$0x3FDB];
	s0 =	simm.s32 @p2 $0x1  }
0x17: {  	s4 =	simm.s32 $0x1BF5;
	[smem:$0x3FBB] =	sst s0  }
0x18: {  	s0 =	sld [smem:$0x3F9E];
	_ =	swait.ge [sflag:s4], $0x0  }
0x19: {  	s7 =	sld [smem:$0x3F9F]  }
0x1a: {  	s8 =	sadd.s32 $0xFFFFE003, lr  }
0x1b: {  	s9 =	sadd.s32 $0xFFFFFEF7, lr;
	s5 =	simm.s32 $0xFFFFFFFF;
	p2 =	slt.u32 s8, $0xFFFFF086  }
0x1c: {  	p1 =	slt.u32 s9, $0xF7A;
	s5 =	simm.s32 @!p2 $0x0  }
0x1d: {  	s5 =	simm.s32 @p1 $0x1;
	p0 =	seq.s32 s7, s2  }
0x1e: {  	s7 =	smul.u32 @!p0 $0xF7A, s2;
	p2 =	seq.s32 @!p0 s5, $0x0  }
0x1f: {  	s9 =	smul.u32 $0xF7A, s1;
	s8 =	simm.s32 @!p0 $0x1BF5;
	p2 =	por !p2, p0  }
0x20: {  	[sflag:s8] =	ssyncset.s32 @!p0 $0xFFFFF086;
	s6 =	sadd.s32 @!p0 s3, s7;
	s7 =	simm.s32 @!p0 $0x108  }
0x21: {  	s3 =	sadd.s32 s3, s9;
	s6 =	sadd.s32 @!p0 $0x88, s6;
	s7 =	simm.s32 @p2 $0x1082  }
0x22: {  	[simem:s7], [sflag:s8] =	dma.local @!p0 [hbm:s6], $0xF7A  }
0x23: {  	s9 =	sor.u32 $0xD0000000, s2;
	s6 =	simm.s32 $0x108;
	_ =	swait.ge @!p0 [sflag:s8], $0x0  }
0x24: {  	s3 =	sadd.s32 $0x88, s3;
	s6 =	simm.s32 @!p1 $0x1082;
	[sflag:s4] =	ssyncset.s32 $0xFFFFF086  }
0x25: {  	[simem:s6], [sflag:s4] =	dma.local [hbm:s3], $0xF7A  }
0x26: {  	[smem:$0x3F9F] =	sst s1;
	(tag) =	ssettag s2;
	_ =	strace s9  }
0x27: {  	s1 =	sld [smem:$0x3FAF]  }
0x28: {  	s2 =	sld [smem:$0x3FB0]  }
0x29: {  	s4 =	sld [smem:$0x3FB2]  }
0x2a: {  	p0 =	seq.s32 s5, $0x0;
	s5 =	sld [smem:$0x3FB3]  }
0x2b: {  	s6 =	sld [smem:$0x3FB4]  }
0x2c: {  	s7 =	sld [smem:$0x3FB5]  }
0x2d: {  	s3 =	simm.s32 $0x108;
	s8 =	sld [smem:$0x3FB6]  }
0x2e: {  	s3 =	simm.s32 @!p0 $0x1082;
	s9 =	sld [smem:$0x3FB7]  }
0x2f: {  	lr =	sadd.s32 s0, s3;
	s0 =	sld [smem:$0x3FAE]  }
0x30: {  	s3 =	sld [smem:$0x3FB1]  }
0x31: {  	[smem:$0x3FBA] =	sst s10  }
0x32: {  	s10 =	sld [smem:$0x3FB8];
	_ =	sdelay $0x3  }
0x33: {  	p0 =	seq.s32 s10, $0x1;
	s10 =	sld [smem:$0x3FBA];
	_ =	sdelay $0x3  }
0x34: {  	[smem:$0x3FBA] =	sst s10  }
0x35: {  	s10 =	sld [smem:$0x3FB9];
	_ =	sdelay $0x3  }
0x36: {  	p1 =	seq.s32 s10, $0x1;
	s10 =	sld [smem:$0x3FBA];
	_ =	sdelay $0x3  }
0x37: {  	[smem:$0x3FBA] =	sst s10  }
0x38: {  	s10 =	sld [smem:$0x3FBB]  }
0x39: {  	_ = 	snop;
	(pc) =	sbr.ind lr, $3  }
0x3a: {  	_ = 	snop  }
0x3b: {  	_ = 	snop  }
0x3c: {  	p2 =	seq.s32 s10, $0x1;
	s10 =	sld [smem:$0x3FBA]  }
0x3d: {  	_ =	shalt  }
0x3e: {  	_ =	shalt  }
0x3f: {  	_ =	shalt  }
0x40: {  	_ =	shalt  }
0x41: {  	_ =	shalt  }
0x42: {  	_ =	shalt  }
0x43: {  	_ =	shalt  }
0x44: {  	_ =	shalt  }
0x45: {  	_ =	shalt  }
0x46: {  	_ =	shalt  }
0x47: {  	_ =	shalt  }
0x48: {  	_ =	shalt  }
0x49: {  	_ =	shalt  }
0x4a: {  	_ =	shalt  }
0x4b: {  	_ =	shalt  }
0x4c: {  	_ =	shalt  }
0x4d: {  	_ =	shalt  }
0x4e: {  	_ =	shalt  }
0x4f: {  	_ =	shalt  }
0x50: {  	_ =	shalt  }
0x51: {  	_ =	shalt  }
0x52: {  	_ =	shalt  }
0x53: {  	_ =	shalt  }
0x54: {  	_ =	shalt  }
0x55: {  	_ =	shalt  }
0x56: {  	_ =	shalt  }
0x57: {  	_ =	shalt  }
0x58: {  	_ =	shalt  }
0x59: {  	_ =	shalt  }
0x5a: {  	_ =	shalt  }
0x5b: {  	_ =	shalt  }
0x5c: {  	_ =	shalt  }
0x5d: {  	_ =	shalt  }
0x5e: {  	_ =	shalt  }
0x5f: {  	_ =	shalt  }
0x60: {  	_ =	shalt  }
0x61: {  	_ =	shalt  }
0x62: {  	_ =	shalt  }
0x63: {  	_ =	shalt  }
0x64: {  	_ =	shalt  }
0x65: {  	_ =	shalt  }
0x66: {  	_ =	shalt  }
0x67: {  	_ =	shalt  }
0x68: {  	_ =	shalt  }
0x69: {  	_ =	shalt  }
0x6a: {  	_ =	shalt  }
0x6b: {  	_ =	shalt  }
0x6c: {  	_ =	shalt  }
0x6d: {  	_ =	shalt  }
0x6e: {  	_ =	shalt  }
0x6f: {  	_ =	shalt  }
0x70: {  	_ =	shalt  }
0x71: {  	_ =	shalt  }
0x72: {  	_ =	shalt  }
0x73: {  	_ =	shalt  }
0x74: {  	_ =	shalt  }
0x75: {  	_ =	shalt  }
0x76: {  	_ =	shalt  }
0x77: {  	_ =	shalt  }
0x78: {  	_ =	shalt  }
0x79: {  	_ =	shalt  }
0x7a: {  	_ =	shalt  }
0x7b: {  	_ =	shalt  }
0x7c: {  	_ =	shalt  }
0x7d: {  	_ =	shalt  }
0x7e: {  	_ =	shalt  }
0x7f: {  	_ =	shalt  }
0x80: {  	_ =	shalt  }
0x81: {  	_ =	shalt  }
0x82: {  	_ =	shalt  }
0x83: {  	_ =	shalt  }
0x84: {  	_ =	shalt  }
0x85: {  	_ =	shalt  }
0x86: {  	_ =	shalt  }
0x87: {  	_ =	shalt  }
.Lfunc_end0:
.L_simem_size_0:
called_computation.1_lowered:
.L_overlay_start_0:
0x88: {  	s2 =	sld [smem:$0x3FD9]  }
0x89: {  	s3 =	sld [smem:$0x3FFE];
	_ =	sdelay $0x1  }
0x8a: {  	s1 =	srdreg.scid  }
0x8b: {  	s0 =	sand.u32 $0x1, s1  }
0x8c: {  	s17 =	sshll.u32 s0, $0xA;
	s2 =	sadd.s32 s3, s2  }
0x8d: {  	s2 =	sadd.s32 s2, s17  }
0x8e: {  	[smem:$0x3FC6] =	sst s2  }
0x8f: {  	_ = 	snop  }
0x90: {  	s2 =	sld [smem:$0x3FD0];
	(tm) =	ssettm $0x1  }
0x91: {  	s18 =	sld [smem:$0x3FFB];
	_ =	sdelay $0x3  }
0x92: {  	_ =	strace s18  }
0x93: {  	s3 =	sld [smem:$0x3FFC];
	_ =	sdelay $0x3  }
0x94: {  	_ =	strace s3  }
0x95: {  	s3 =	sld [smem:$0x3FFD];
	_ =	sdelay $0x3  }
0x96: {  	_ =	strace s3  }
0x97: {  	_ =	strace $0x8FFFFFFF  }
0x98: {  	s19 =	sld [smem:$0x3FDB];
	_ =	sdelay $0x1  }
0x99: {  	s4 =	simm.s32 $_scs_section_size  }
0x9a: {  	s5 =	simm.s32 $_size__tile_overlayer_lowered;
	s6 =	simm.s32 $_tile_overlayer_lowered  }
0x9b: {  	s22 =	simm.s32 $0x1BFF;
	s21 =	sshll.u32 s6, $0x1;
	s3 =	sadd.s32 s4, s19  }
0x9c: {  	s7 =	simm.s32 $0x0;
	s20 =	sshll.u32 s5, $0x1;
	s5 =	sadd.s32 s21, s3  }
0x9d: {  	[timem:s7], [sflag:s22] =	dma.local [hbm:s5], s20  }
0x9e: {  	_ =	swait.ge [sflag:s22], s20  }
0x9f: {  	s4 =	ssub.s32 $0x0, s20;
	[sflag:s22] =	ssyncset.done $0x0  }
0xa0: {  	[sflag:s22] =	ssyncadd.s32 s4;
	_ =	sdelay $0x1  }
0xa1: {  	s23 =	simm.s32 $0x1B8B  }
0xa2: {  	_ =	swait.ge [sflag:s23], $0x1  }
0xa3: {  	[sflag:s23] =	ssyncset.done $0x0  }
0xa4: {  	s25 =	simm.s32 $0x1B8E;
	s24 =	sld [smem:$0x3FFE];
	[sflag:s23] =	ssyncadd.s32 $0xFFFFFFFF  }
0xa5: {  	s26 =	simm.s32 $execute0_lowered;
	[smem:$0x3FD2] =	sst s25  }
0xa6: {  	s5 =	sshll.u32 s26, $0x1;
	_ =	strace $0x80000049;
	[dreg:$0x1] =	wrdreg $0xFFFFFFFF  }
0xa7: {  	s28 =	simm.s32 $_size_execute0_lowered;
	s3 =	sadd.s32 s3, s5;
	[dreg:$0x0] =	wrdreg $0x0  }
0xa8: {  	s5 =	sshll.u32 s28, $0x1;
	[dreg:$0x2] =	wrdreg s3  }
0xa9: {  	[dreg:$0x3] =	wrdreg s5  }
0xaa: {  	[dreg:$0x4] =	wrdreg $0xC0  }
0xab: {  	_ =	task [dreg:s7], $0x5FFFF  }
0xac: {  	[dreg:$0x1] =	wrdreg $0xFFFFFFFF  }
0xad: {  	[dreg:$0x0] =	wrdreg $0x60  }
0xae: {  	[dreg:$0x2] =	wrdreg s2  }
0xaf: {  	[dreg:$0x3] =	wrdreg s24  }
0xb0: {  	[dreg:$0x4] =	wrdreg $0x9  }
0xb1: {  	_ =	task.clear_ibuf [dreg:s7], $0x5FFFF;
	_ =	strace $0x90000049  }
0xb2: {  	s29 =	simm.s32 $0x9;
	_ =	strace $0x8000004B  }
0xb3: {  	_ =	swait.ge [sflag:s29], $0x1  }
0xb4: {  	[sflag:s29] =	ssyncadd.s32 $0xFFFFFFFF  }
0xb5: {  	_ =	strace $0x9000004B  }
0xb6: {  	_ =	sfence  }
0xb7: {  	s30 =	sld [smem:$0x0];
	_ =	sdelay $0x2  }
0xb8: {  	s31 =	sshll.u32 s1, $0xD;
	s1 =	sshrl.u32 s1, $0x2  }
0xb9: {  	s3 =	sand.u32 $0x4000, s31;
	s1 =	sadd.s32 s1, s30  }
0xba: {  	s0 =	sor.u32 s3, s0;
	s1 =	sshll.u32 s1, $0x11  }
0xbb: {  	s0 =	sor.u32 s1, s0  }
0xbc: {  	s0 =	sadd.s32 $0x8F2B, s0  }
0xbd: {  	[sflag:s0] =	ssyncadd.remote.s32 $0x1  }
0xbe: {  	_ =	sfence.sel $0xFFFF  }
0xbf: {  	[dreg:$0x0] =	wrdreg $0xFFFFFFFF;
	(pc) =	sbr.abs _section_cstart, $3  }
0xc0: {  	[dreg:$0x1] =	wrdreg $0xFFFFFFFF  }
0xc1: {  	_ =	task.clear_ibuf [dreg:s7], $0x2FFFF;
	_ =	strace $0x9FFFFFFF  }
0xc2: {  	(tm) =	ssettm $0x7FFFFFFF  }
0xc3: {  	_ =	shalt  }
tec
execute0_lowered:
.L_overlay_start_1:
0x0: {  	(tag) =	ssettag $0x1  }
0x1: {  	s2 =	rddreg [dreg:$0x0]  }
0x2: {  	s3 =	rddreg [dreg:$0x1];
	s4 =	srdreg.scid  }
0x3: {  	s0 =	rddreg [dreg:$0x2];
	s1 =	stileid.u32  }
0x4: {  	s12 =	simm.s32 $0x1;
	s13 =	simm.s32 $0x800;
	s14 =	simm.s32 $0x4800  }
0x5: {  	s15 =	simm.s32 $0x2;
	s16 =	simm.s32 $0x8800;
	s17 =	simm.s32 $0x3  }
0x6: {  	s18 =	simm.s32 $0xC800;
	s19 =	simm.s32 $0x4;
	s20 =	simm.s32 $0x5  }
0x7: {  	s21 =	simm.s32 $0x0;
	s6 =	sand.u32 $0x1, s4;
	s4 =	simm.s32 $0x0  }
0x8: {  	s5 =	sshll.u32 s1, $0x16;
	s7 =	sshll.u32 s6, $0x15;
	[smem:$0x7FF] =	sst s4  }
0x9: {  	s8 =	ssub.s32 $0x2, s6;
	s6 =	sadd.s32 $0x200, s3;
	s5 =	sor.u32 s7, s5  }
0xa: {  	_ =	strace $0x8000004A;
	s9 =	sshrl.u32 s8, $0x1;
	s7 =	sshrl.u32 s5, $0x3  }
0xb: {  	s11 =	ssub.s32 s8, s9;
	s9 =	sor.u32 $0x8000, s5;
	s7 =	sadd.s32 s2, s7  }
0xc: {  	s10 =	sor.u32 $0xC000, s5;
	s11 =	smax.u32 s11, $0x1;
	s8 =	sadd.s32 $0x800, s7  }
.LBB2_1:
0xd: {  	[tilespmem:s4], [sflag:$0x1] =	stream.linear.gather [hbm4b:s3+s4], $0x800, $0x38;
	[tilespmem:$0x10800] =	vst v63  }
0xe: {  	_ =	swait.ge [sflag:s12], $0x800  }
0xf: {  	[sflag:s12] =	ssyncset.done $0x0  }
0x10: {  	[sflag:s12] =	ssyncadd.s32 $0xFFFFF800  }
0x11: {  	v0 =	vld [tilespmem:$0x0]  }
0x12: {  	v1 =	vld [tilespmem:$0x80]  }
0x13: {  	v2 =	vld [tilespmem:$0x100]  }
0x14: {  	v3 =	vld [tilespmem:$0x180]  }
0x15: {  	v4 =	vld [tilespmem:$0x200]  }
0x16: {  	v5 =	vld [tilespmem:$0x280]  }
0x17: {  	v6 =	vld [tilespmem:$0x300]  }
0x18: {  	v7 =	vld [tilespmem:$0x380]  }
0x19: {  	v8 =	vld [tilespmem:$0x400]  }
0x1a: {  	v9 =	vld [tilespmem:$0x480]  }
0x1b: {  	v10 =	vld [tilespmem:$0x500]  }
0x1c: {  	v11 =	vld [tilespmem:$0x580]  }
0x1d: {  	v13 =	vld [tilespmem:$0x680]  }
0x1e: {  	v12 =	vld [tilespmem:$0x600]  }
0x1f: {  	v14 =	vld [tilespmem:$0x700];
	[tilespmem:s13], [sflag:$0x2] =	stream.linear.gather [hbm4b:s7+s4], $0x4000, $0x38  }
0x20: {  	s22 =	simm.s32 $0x0  }
0x21: {  	[tilespmem:s14], [sflag:$0x3] =	stream.linear.gather [hbm4b:s8+s4], $0x4000, $0x38;
	[tilespmem:$0x10800] =	vst v63  }
.LBB2_2:
0x22: {  	_ =	swait.ge [sflag:s15], $0x4000  }
0x23: {  	p1 =	seq.s32 s22, $0x0;
	[sflag:s15] =	ssyncset.done $0x0  }
0x24: {  	s23 =	simm.s32 @!p1 $0x4;
	[sflag:s15] =	ssyncadd.s32 $0xFFFFC000  }
0x25: {  	_ =	swait.ge @!p1 [sflag:s23], $0x4000  }
0x26: {  	[sflag:s23] =	ssyncset.done @!p1 $0x0  }
0x27: {  	s24 =	simm.s32 $0x0;
	[sflag:s23] =	ssyncadd.s32 @!p1 $0xFFFFC000  }
0x28: {  	v22 =	vld [tilespmem:s24+$0x870]  }
0x29: {  	v16 =	vld [tilespmem:s24+$0x800]  }
0x2a: {  	v17 =	vld [tilespmem:s24+$0x810]  }
0x2b: {  	v15 =	vld [tilespmem:s24+$0x820]  }
0x2c: {  	v18 =	vld [tilespmem:s24+$0x830]  }
0x2d: {  	v19 =	vld [tilespmem:s24+$0x840]  }
0x2e: {  	v20 =	vld [tilespmem:s24+$0x850];
	_ =	sdelay $0x1  }
0x2f: {  	v21 =	vld [tilespmem:s24+$0x860]  }
0x30: {  	vm0 =	vgt.f32 v22, v0  }
0x31: {  	vm1 =	vgt.f32 v16, v0;
	vm2 =	vgt.f32 v17, v0;
	vm3 =	vgt.f32 v15, v0  }
0x32: {  	vm4 =	vgt.f32 v18, v0;
	vm5 =	vgt.f32 v19, v0;
	vm6 =	vgt.f32 v20, v0  }
0x33: {  	vm13 =	vgt.f32 v19, v1;
	vm14 =	vgt.f32 v20, v1;
	vm15 =	vgt.f32 v19, v2  }
0x34: {  	vm8 =	vgt.f32 v20, v2;
	vm9 =	vgt.f32 v19, v3;
	vm10 =	vgt.f32 v21, v3  }
0x35: {  	vm11 =	vgt.f32 v19, v4;
	vm12 =	vgt.f32 v20, v4;
	v23 =	vsel vm0, v8, v7  }
0x36: {  	vm0 =	vgt.f32 v22, v1;
	v25 =	vsel vm3, v8, v7;
	v26 =	vsel vm4, v8, v7  }
0x37: {  	v27 =	vsel vm5, v8, v7;
	v28 =	vsel vm6, v8, v7;
	vm3 =	vgt.f32 v18, v1  }
0x38: {  	v23 =	vsel vm0, v9, v23;
	vm0 =	vgt.f32 v22, v2;
	v26 =	vsel vm3, v9, v26  }
0x39: {  	v27 =	vsel vm13, v9, v27;
	v28 =	vsel vm14, v9, v28;
	vm3 =	vgt.f32 v18, v2  }
0x3a: {  	vm13 =	vgt.f32 v18, v5;
	vm14 =	vgt.f32 v19, v5;
	v23 =	vsel vm0, v10, v23  }
0x3b: {  	vm0 =	vgt.f32 v22, v3;
	v26 =	vsel vm3, v10, v26;
	v27 =	vsel vm15, v10, v27  }
0x3c: {  	v28 =	vsel vm8, v10, v28;
	vm3 =	vgt.f32 v18, v3;
	vm15 =	vgt.f32 v20, v5  }
0x3d: {  	v23 =	vsel vm0, v11, v23;
	vm0 =	vgt.f32 v22, v4;
	v26 =	vsel vm3, v11, v26  }
0x3e: {  	v27 =	vsel vm9, v11, v27;
	vm3 =	vgt.f32 v18, v4;
	v23 =	vsel vm0, v12, v23  }
0x3f: {  	vm0 =	vgt.f32 v22, v5;
	v26 =	vsel vm3, v12, v26;
	v31 =	vsel vm11, v12, v27  }
0x40: {  	vm3 =	vgt.f32 v15, v5;
	v23 =	vsel vm0, v13, v23;
	vm0 =	vgt.f32 v22, v6  }
0x41: {  	v22 =	vsel vm1, v8, v7;
	vm1 =	vgt.f32 v21, v0;
	v26 =	vsel vm13, v13, v26  }
0x42: {  	v24 =	vsel vm0, v14, v23;
	v23 =	vsel vm2, v8, v7;
	v29 =	vsel vm1, v8, v7  }
0x43: {  	vm0 =	vgt.f32 v16, v1;
	vm1 =	vgt.f32 v17, v1;
	vm2 =	vgt.f32 v15, v1  }
0x44: {  	v22 =	vsel vm0, v9, v22;
	v23 =	vsel vm1, v9, v23;
	vm0 =	vgt.f32 v21, v1  }
0x45: {  	v25 =	vsel vm2, v9, v25;
	vm1 =	vgt.f32 v16, v2;
	vm2 =	vgt.f32 v15, v2  }
0x46: {  	[tilespmem:s24+$0x8870] =	vst v24;
	v24 =	vsel vm14, v13, v31;
	v29 =	vsel vm0, v9, v29;
	vm0 =	vgt.f32 v17, v2  }
0x47: {  	v22 =	vsel vm1, v10, v22;
	vm1 =	vgt.f32 v21, v2;
	v25 =	vsel vm2, v10, v25  }
0x48: {  	vm2 =	vgt.f32 v17, v3;
	v23 =	vsel vm0, v10, v23;
	vm0 =	vgt.f32 v16, v3  }
0x49: {  	v29 =	vsel vm1, v10, v29;
	vm1 =	vgt.f32 v15, v3;
	v22 =	vsel vm0, v11, v22  }
0x4a: {  	vm0 =	vgt.f32 v20, v3;
	v23 =	vsel vm2, v11, v23;
	v25 =	vsel vm1, v11, v25  }
0x4b: {  	v29 =	vsel vm10, v11, v29;
	vm1 =	vgt.f32 v17, v4;
	vm2 =	vgt.f32 v15, v4  }
0x4c: {  	v28 =	vsel vm0, v11, v28;
	vm0 =	vgt.f32 v16, v4;
	v23 =	vsel vm1, v12, v23  }
0x4d: {  	v25 =	vsel vm2, v12, v25;
	vm1 =	vgt.f32 v16, v5;
	vm2 =	vgt.f32 v17, v5  }
0x4e: {  	v30 =	vsel vm0, v12, v22;
	vm0 =	vgt.f32 v21, v4;
	v32 =	vsel vm12, v12, v28  }
0x4f: {  	v27 =	vsel vm2, v13, v23;
	v23 =	vsel vm3, v13, v25;
	v22 =	vsel vm0, v12, v29  }
0x50: {  	s25 =	simm.s32 $0x80;
	s26 =	simm.s32 $0x400;
	s23 =	sshll.u32 s22, $0xF;
	v28 =	vsel vm1, v13, v30;
	vm0 =	vgt.f32 v21, v5;
	v25 =	vsel vm15, v13, v32  }
.LBB2_3:
0x51: {  	p0 =	sne.s32 s26, $0xFE00;
	v29 =	vld [tilespmem:s25+$0x870];
	vm1 =	vgt.f32 v16, v6;
	vm2 =	vgt.f32 v17, v6;
	v22 =	vsel vm0, v13, v22  }
0x52: {  	vm0 =	vgt.f32 v15, v6;
	vm3 =	vgt.f32 v18, v6;
	vm4 =	vgt.f32 v19, v6;
	v16 =	vld [tilespmem:s25+$0x800]  }
0x53: {  	vm5 =	vgt.f32 v21, v6;
	v18 =	vsel vm1, v14, v28;
	vm1 =	vgt.f32 v20, v6;
	v17 =	vld [tilespmem:s25+$0x810]  }
0x54: {  	v19 =	vsel vm2, v14, v27;
	v20 =	vsel vm0, v14, v23;
	v21 =	vsel vm3, v14, v26;
	v15 =	vld [tilespmem:s25+$0x820];
	[tilespmem:s24+$0x8800] =	vst v18  }
0x55: {  	v23 =	vsel vm4, v14, v24;
	v22 =	vsel vm5, v14, v22;
	v24 =	vsel vm1, v14, v25;
	v18 =	vld [tilespmem:s25+$0x830];
	[tilespmem:s24+$0x8810] =	vst v19  }
0x56: {  	v19 =	vld [tilespmem:s25+$0x840];
	vm0 =	vgt.f32 v29, v0;
	[tilespmem:s24+$0x8820] =	vst v20  }
0x57: {  	vm1 =	vgt.f32 v16, v0;
	v20 =	vld [tilespmem:s25+$0x850];
	v25 =	vsel vm0, v8, v7;
	vm0 =	vgt.f32 v29, v1;
	[tilespmem:s24+$0x8830] =	vst v21  }
0x58: {  	vm2 =	vgt.f32 v17, v0;
	v21 =	vld [tilespmem:s25+$0x860];
	v25 =	vsel vm0, v9, v25;
	vm0 =	vgt.f32 v29, v2;
	[tilespmem:s24+$0x8840] =	vst v23  }
0x59: {  	vm3 =	vgt.f32 v15, v0;
	v23 =	vsel vm0, v10, v25;
	vm0 =	vgt.f32 v29, v3;
	[tilespmem:s24+$0x8850] =	vst v24  }
0x5a: {  	vm4 =	vgt.f32 v18, v0;
	v23 =	vsel vm0, v11, v23;
	vm0 =	vgt.f32 v29, v4;
	[tilespmem:s24+$0x8860] =	vst v22;
	s24 =	smov.u32 s25  }
0x5b: {  	vm5 =	vgt.f32 v19, v0;
	v22 =	vsel vm0, v12, v23;
	vm0 =	vgt.f32 v29, v5  }
0x5c: {  	vm6 =	vgt.f32 v20, v0;
	v22 =	vsel vm0, v13, v22;
	vm0 =	vgt.f32 v29, v6  }
0x5d: {  	v23 =	vsel vm1, v8, v7;
	vm1 =	vgt.f32 v21, v0;
	v22 =	vsel vm0, v14, v22  }
0x5e: {  	v24 =	vsel vm2, v8, v7;
	v25 =	vsel vm3, v8, v7;
	v26 =	vsel vm4, v8, v7;
	[tilespmem:s24+$0x8870] =	vst v22  }
0x5f: {  	v27 =	vsel vm6, v8, v7;
	v22 =	vsel vm5, v8, v7;
	v28 =	vsel vm1, v8, v7  }
0x60: {  	vm2 =	vgt.f32 v15, v1;
	vm0 =	vgt.f32 v16, v1;
	vm1 =	vgt.f32 v17, v1  }
0x61: {  	vm3 =	vgt.f32 v18, v1;
	vm4 =	vgt.f32 v19, v1;
	vm5 =	vgt.f32 v20, v1  }
0x62: {  	v23 =	vsel vm0, v9, v23;
	vm0 =	vgt.f32 v21, v1;
	v24 =	vsel vm1, v9, v24  }
0x63: {  	v25 =	vsel vm2, v9, v25;
	v26 =	vsel vm3, v9, v26;
	v22 =	vsel vm4, v9, v22  }
0x64: {  	vm1 =	vgt.f32 v16, v2;
	v27 =	vsel vm5, v9, v27;
	v28 =	vsel vm0, v9, v28  }
0x65: {  	vm2 =	vgt.f32 v15, v2;
	vm3 =	vgt.f32 v18, v2;
	vm0 =	vgt.f32 v17, v2  }
0x66: {  	vm6 =	vgt.f32 v21, v2;
	vm4 =	vgt.f32 v19, v2;
	vm5 =	vgt.f32 v20, v2  }
0x67: {  	v25 =	vsel vm2, v10, v25;
	v23 =	vsel vm1, v10, v23;
	v24 =	vsel vm0, v10, v24  }
0x68: {  	v26 =	vsel vm3, v10, v26;
	v22 =	vsel vm4, v10, v22;
	v27 =	vsel vm5, v10, v27  }
0x69: {  	vm0 =	vgt.f32 v16, v3;
	vm1 =	vgt.f32 v17, v3;
	v28 =	vsel vm6, v10, v28  }
0x6a: {  	vm2 =	vgt.f32 v15, v3;
	vm3 =	vgt.f32 v18, v3;
	vm4 =	vgt.f32 v19, v3  }
0x6b: {  	vm5 =	vgt.f32 v21, v3;
	v23 =	vsel vm0, v11, v23;
	vm0 =	vgt.f32 v20, v3  }
0x6c: {  	v25 =	vsel vm2, v11, v25;
	v26 =	vsel vm3, v11, v26;
	v24 =	vsel vm1, v11, v24  }
0x6d: {  	v22 =	vsel vm4, v11, v22;
	v28 =	vsel vm5, v11, v28;
	v27 =	vsel vm0, v11, v27  }
0x6e: {  	vm2 =	vgt.f32 v15, v4;
	vm1 =	vgt.f32 v17, v4;
	vm0 =	vgt.f32 v16, v4  }
0x6f: {  	vm3 =	vgt.f32 v18, v4;
	vm4 =	vgt.f32 v19, v4;
	vm5 =	vgt.f32 v20, v4  }
0x70: {  	v24 =	vsel vm1, v12, v24;
	v23 =	vsel vm0, v12, v23;
	vm0 =	vgt.f32 v21, v4  }
0x71: {  	v25 =	vsel vm2, v12, v25;
	v26 =	vsel vm3, v12, v26;
	v29 =	vsel vm4, v12, v22  }
.Ltmp0:
0x72: {  	vm1 =	vgt.f32 v16, v5;
	v30 =	vsel vm5, v12, v27;
	v22 =	vsel vm0, v12, v28;
	(pc) =	sbr.rel @p0 .LBB2_3-.Ltmp0, $4  }
0x73: {  	vm2 =	vgt.f32 v17, v5;
	vm3 =	vgt.f32 v15, v5;
	vm4 =	vgt.f32 v18, v5  }
0x74: {  	vm6 =	vgt.f32 v20, v5;
	vm5 =	vgt.f32 v19, v5;
	vm0 =	vgt.f32 v21, v5  }
0x75: {  	v27 =	vsel vm2, v13, v24;
	v28 =	vsel vm1, v13, v23;
	v23 =	vsel vm3, v13, v25  }
0x76: {  	s25 =	sshra.s32 s26, $0x2;
	s26 =	sadd.s32 $0x200, s26;
	v26 =	vsel vm4, v13, v26;
	v24 =	vsel vm5, v13, v29;
	v25 =	vsel vm6, v13, v30  }
0x77: {  	v29 =	vld [tilespmem:s25+$0x870]  }
0x78: {  	v30 =	vld [tilespmem:s25+$0x800]  }
0x79: {  	vm1 =	vgt.f32 v16, v6;
	v16 =	vld [tilespmem:s25+$0x810];
	v22 =	vsel vm0, v13, v22;
	vm0 =	vgt.f32 v15, v6  }
0x7a: {  	v31 =	vld [tilespmem:s25+$0x820];
	vm2 =	vgt.f32 v19, v6;
	v28 =	vsel vm1, v14, v28;
	vm1 =	vgt.f32 v17, v6  }
0x7b: {  	vm3 =	vgt.f32 v21, v6;
	v15 =	vsel vm0, v14, v23;
	[tilespmem:s24+$0x8800] =	vst v28;
	v17 =	vsel vm1, v14, v27  }
0x7c: {  	vm0 =	vgt.f32 v20, v6;
	v21 =	vsel vm3, v14, v22;
	vm1 =	vgt.f32 v18, v6;
	v27 =	vld [tilespmem:s25+$0x830];
	[tilespmem:s24+$0x8810] =	vst v17  }
0x7d: {  	v19 =	vsel vm0, v14, v25;
	v18 =	vsel vm1, v14, v26;
	v17 =	vld [tilespmem:s25+$0x840];
	[tilespmem:s24+$0x8820] =	vst v15;
	v15 =	vsel vm2, v14, v24  }
0x7e: {  	vm0 =	vgt.f32 v29, v0;
	vm1 =	vgt.f32 v30, v0;
	vm2 =	vgt.f32 v16, v0  }
0x7f: {  	vm3 =	vgt.f32 v31, v0;
	vm9 =	vgt.f32 v30, v6;
	v22 =	vsel vm0, v8, v7  }
0x80: {  	vm0 =	vgt.f32 v29, v1;
	v24 =	vsel vm2, v8, v7;
	v25 =	vsel vm3, v8, v7  }
0x81: {  	v20 =	vld [tilespmem:s25+$0x850];
	vm2 =	vgt.f32 v31, v1;
	v22 =	vsel vm0, v9, v22;
	vm0 =	vgt.f32 v29, v2  }
0x82: {  	[tilespmem:s24+$0x8830] =	vst v18;
	v23 =	vsel vm1, v8, v7;
	v25 =	vsel vm2, v9, v25;
	v22 =	vsel vm0, v10, v22  }
0x83: {  	v18 =	vld [tilespmem:s25+$0x860];
	vm0 =	vgt.f32 v29, v3;
	vm4 =	vgt.f32 v27, v0;
	vm3 =	vgt.f32 v27, v1  }
0x84: {  	v22 =	vsel vm0, v11, v22;
	vm0 =	vgt.f32 v29, v4;
	vm5 =	vgt.f32 v17, v0  }
0x85: {  	v26 =	vsel vm4, v8, v7;
	vm14 =	vgt.f32 v17, v5;
	v22 =	vsel vm0, v12, v22  }
0x86: {  	vm0 =	vgt.f32 v29, v5;
	vm6 =	vgt.f32 v20, v0;
	v28 =	vsel vm5, v8, v7  }
0x87: {  	v26 =	vsel vm3, v9, v26;
	vm3 =	vgt.f32 v27, v2;
	vm15 =	vgt.f32 v20, v5  }
0x88: {  	v22 =	vsel vm0, v13, v22;
	vm0 =	vgt.f32 v29, v6;
	vm1 =	vgt.f32 v18, v0  }
0x89: {  	v29 =	vsel vm6, v8, v7;
	vm2 =	vgt.f32 v18, v1;
	v26 =	vsel vm3, v10, v26  }
0x8a: {  	vm3 =	vgt.f32 v27, v3;
	v22 =	vsel vm0, v14, v22;
	v32 =	vsel vm1, v8, v7  }
0x8b: {  	vm0 =	vgt.f32 v30, v1;
	vm1 =	vgt.f32 v16, v1;
	v26 =	vsel vm3, v11, v26  }
0x8c: {  	vm3 =	vgt.f32 v27, v4;
	v23 =	vsel vm0, v9, v23;
	vm0 =	vgt.f32 v17, v1  }
0x8d: {  	v24 =	vsel vm1, v9, v24;
	vm1 =	vgt.f32 v20, v1;
	v32 =	vsel vm2, v9, v32  }
0x8e: {  	vm2 =	vgt.f32 v31, v2;
	v26 =	vsel vm3, v12, v26;
	vm3 =	vgt.f32 v27, v5  }
0x8f: {  	v28 =	vsel vm0, v9, v28;
	vm0 =	vgt.f32 v30, v2;
	v29 =	vsel vm1, v9, v29  }
0x90: {  	vm1 =	vgt.f32 v16, v2;
	v25 =	vsel vm2, v10, v25;
	vm2 =	vgt.f32 v18, v2  }
0x91: {  	v23 =	vsel vm0, v10, v23;
	vm0 =	vgt.f32 v17, v2;
	v24 =	vsel vm1, v10, v24  }
0x92: {  	vm1 =	vgt.f32 v20, v2;
	v32 =	vsel vm2, v10, v32;
	vm2 =	vgt.f32 v31, v3  }
0x93: {  	v28 =	vsel vm0, v10, v28;
	v29 =	vsel vm1, v10, v29;
	vm0 =	vgt.f32 v30, v3  }
0x94: {  	vm1 =	vgt.f32 v16, v3;
	v25 =	vsel vm2, v11, v25;
	vm2 =	vgt.f32 v18, v3  }
0x95: {  	v23 =	vsel vm0, v11, v23;
	vm0 =	vgt.f32 v17, v3;
	v24 =	vsel vm1, v11, v24  }
0x96: {  	vm1 =	vgt.f32 v20, v3;
	v32 =	vsel vm2, v11, v32;
	vm2 =	vgt.f32 v31, v4  }
0x97: {  	v28 =	vsel vm0, v11, v28;
	v29 =	vsel vm1, v11, v29;
	vm0 =	vgt.f32 v30, v4  }
0x98: {  	vm1 =	vgt.f32 v16, v4;
	v25 =	vsel vm2, v12, v25;
	vm2 =	vgt.f32 v18, v4  }
0x99: {  	v23 =	vsel vm0, v12, v23;
	vm0 =	vgt.f32 v17, v4;
	v24 =	vsel vm1, v12, v24  }
0x9a: {  	[tilespmem:s24+$0x8840] =	vst v15;
	vm1 =	vgt.f32 v20, v4;
	v15 =	vsel vm2, v12, v32;
	vm2 =	vgt.f32 v31, v5  }
0x9b: {  	[tilespmem:s24+$0x8850] =	vst v19;
	v28 =	vsel vm0, v12, v28;
	vm0 =	vgt.f32 v30, v5;
	v29 =	vsel vm1, v12, v29  }
0x9c: {  	[tilespmem:s24+$0x8860] =	vst v21;
	vm1 =	vgt.f32 v16, v5;
	v19 =	vsel vm0, v13, v23;
	vm0 =	vgt.f32 v18, v5  }
0x9d: {  	[tilespmem:s25+$0x8870] =	vst v22;
	v21 =	vsel vm1, v13, v24;
	vm1 =	vgt.f32 v16, v6;
	v16 =	vsel vm9, v14, v19  }
0x9e: {  	v19 =	vsel vm2, v13, v25;
	vm2 =	vgt.f32 v31, v6;
	[tilespmem:s25+$0x8800] =	vst v16;
	v16 =	vsel vm1, v14, v21  }
0x9f: {  	v15 =	vsel vm0, v13, v15;
	vm0 =	vgt.f32 v18, v6;
	v19 =	vsel vm2, v14, v19;
	[tilespmem:s25+$0x8810] =	vst v16  }
0xa0: {  	v21 =	vsel vm3, v13, v26;
	vm1 =	vgt.f32 v27, v6;
	v15 =	vsel vm0, v14, v15;
	[tilespmem:s25+$0x8820] =	vst v19  }
0xa1: {  	p0 =	seq.s32 s22, $0x3F;
	vm2 =	vgt.f32 v17, v6;
	v16 =	vsel vm14, v13, v28;
	v17 =	vsel vm1, v14, v21;
	[tilespmem:s25+$0x8860] =	vst v15  }
0xa2: {  	s24 =	sadd.s32 @!p0 s23, s9;
	v19 =	vsel vm15, v13, v29;
	vm1 =	vgt.f32 v20, v6;
	v16 =	vsel vm2, v14, v16;
	[tilespmem:s25+$0x8830] =	vst v17  }
0xa3: {  	s30 =	sor.u32 s5, s23;
	s24 =	sshrl.u32 @!p0 s24, $0x3;
	v17 =	vsel vm1, v14, v19;
	[tilespmem:s25+$0x8840] =	vst v16  }
0xa4: {  	s26 =	simm.s32 @!p0 $0x800;
	s24 =	sadd.s32 @!p0 s2, s24;
	[tilespmem:s25+$0x8850] =	vst v17;
	s25 =	simm.s32 @!p0 $0x0  }
0xa5: {  	[tilespmem:s26], [sflag:$0x2] =	stream.linear.gather @!p0 [hbm4b:s24+s25], $0x4000, $0x38;
	[tilespmem:$0x10800] =	vst v63  }
0xa6: {  	s24 =	sshrl.u32 s30, $0x3  }
0xa7: {  	s31 =	sadd.s32 s6, s24  }
0xa8: {  	[hbm4b:s31+s4] =	stream.linear.scatter [tilespmem:s16], [sflag:$0x4], $0x4000, $0x38;
	[tilespmem:$0x10800] =	vst v63  }
0xa9: {  	_ =	swait.ge [sflag:s17], $0x4000  }
0xaa: {  	[sflag:s17] =	ssyncset.done $0x0  }
0xab: {  	s25 =	simm.s32 @!p1 $0x5;
	[sflag:s17] =	ssyncadd.s32 $0xFFFFC000  }
0xac: {  	_ =	swait.ge @!p1 [sflag:s25], $0x4000  }
0xad: {  	[sflag:s25] =	ssyncset.done @!p1 $0x0  }
0xae: {  	[sflag:s25] =	ssyncadd.s32 @!p1 $0xFFFFC000;
	s25 =	simm.s32 $0x0  }
0xaf: {  	v22 =	vld [tilespmem:s25+$0x4870]  }
0xb0: {  	v16 =	vld [tilespmem:s25+$0x4800]  }
0xb1: {  	v17 =	vld [tilespmem:s25+$0x4810]  }
0xb2: {  	v15 =	vld [tilespmem:s25+$0x4820]  }
0xb3: {  	v18 =	vld [tilespmem:s25+$0x4830]  }
0xb4: {  	v19 =	vld [tilespmem:s25+$0x4840]  }
0xb5: {  	v20 =	vld [tilespmem:s25+$0x4850];
	_ =	sdelay $0x2  }
0xb6: {  	vm0 =	vgt.f32 v22, v0  }
0xb7: {  	vm1 =	vgt.f32 v16, v0;
	vm2 =	vgt.f32 v17, v0;
	vm3 =	vgt.f32 v15, v0  }
0xb8: {  	v21 =	vld [tilespmem:s25+$0x4860];
	vm10 =	vgt.f32 v18, v0;
	vm11 =	vgt.f32 v19, v0;
	vm12 =	vgt.f32 v20, v0  }
0xb9: {  	vm13 =	vgt.f32 v19, v1;
	vm14 =	vgt.f32 v20, v1;
	vm15 =	vgt.f32 v19, v2  }
0xba: {  	vm8 =	vgt.f32 v20, v2;
	vm9 =	vgt.f32 v19, v3;
	v23 =	vsel vm0, v8, v7  }
0xbb: {  	vm0 =	vgt.f32 v22, v1;
	v24 =	vsel vm2, v8, v7;
	v25 =	vsel vm3, v8, v7  }
0xbc: {  	v26 =	vsel vm10, v8, v7;
	v27 =	vsel vm11, v8, v7;
	v28 =	vsel vm12, v8, v7  }
0xbd: {  	vm2 =	vgt.f32 v15, v1;
	vm3 =	vgt.f32 v18, v1;
	vm10 =	vgt.f32 v21, v3  }
0xbe: {  	vm11 =	vgt.f32 v19, v4;
	vm12 =	vgt.f32 v20, v4;
	v23 =	vsel vm0, v9, v23  }
0xbf: {  	vm0 =	vgt.f32 v22, v2;
	v25 =	vsel vm2, v9, v25;
	v26 =	vsel vm3, v9, v26  }
0xc0: {  	v27 =	vsel vm13, v9, v27;
	v28 =	vsel vm14, v9, v28;
	vm2 =	vgt.f32 v15, v2  }
0xc1: {  	vm3 =	vgt.f32 v18, v2;
	vm13 =	vgt.f32 v18, v5;
	vm14 =	vgt.f32 v19, v5  }
0xc2: {  	v23 =	vsel vm0, v10, v23;
	vm0 =	vgt.f32 v22, v3;
	v25 =	vsel vm2, v10, v25  }
0xc3: {  	v26 =	vsel vm3, v10, v26;
	v27 =	vsel vm15, v10, v27;
	v28 =	vsel vm8, v10, v28  }
0xc4: {  	vm2 =	vgt.f32 v17, v3;
	vm3 =	vgt.f32 v18, v3;
	vm15 =	vgt.f32 v20, v5  }
0xc5: {  	v23 =	vsel vm0, v11, v23;
	vm0 =	vgt.f32 v22, v4;
	v26 =	vsel vm3, v11, v26  }
0xc6: {  	v27 =	vsel vm9, v11, v27;
	vm3 =	vgt.f32 v18, v4;
	v23 =	vsel vm0, v12, v23  }
0xc7: {  	vm0 =	vgt.f32 v22, v5;
	v26 =	vsel vm3, v12, v26;
	v31 =	vsel vm11, v12, v27  }
0xc8: {  	vm3 =	vgt.f32 v15, v5;
	v23 =	vsel vm0, v13, v23;
	vm0 =	vgt.f32 v22, v6  }
0xc9: {  	v22 =	vsel vm1, v8, v7;
	vm1 =	vgt.f32 v21, v0;
	v23 =	vsel vm0, v14, v23  }
0xca: {  	v29 =	vsel vm1, v8, v7;
	vm0 =	vgt.f32 v16, v1;
	vm1 =	vgt.f32 v17, v1  }
0xcb: {  	v26 =	vsel vm13, v13, v26;
	v22 =	vsel vm0, v9, v22;
	v24 =	vsel vm1, v9, v24  }
0xcc: {  	vm0 =	vgt.f32 v21, v1;
	vm1 =	vgt.f32 v16, v2;
	[tilespmem:s25+$0xC870] =	vst v23;
	v23 =	vsel vm14, v13, v31  }
0xcd: {  	v29 =	vsel vm0, v9, v29;
	vm0 =	vgt.f32 v17, v2;
	v22 =	vsel vm1, v10, v22  }
0xce: {  	vm1 =	vgt.f32 v21, v2;
	v24 =	vsel vm0, v10, v24;
	vm0 =	vgt.f32 v16, v3  }
0xcf: {  	v29 =	vsel vm1, v10, v29;
	vm1 =	vgt.f32 v15, v3;
	v22 =	vsel vm0, v11, v22  }
0xd0: {  	vm0 =	vgt.f32 v20, v3;
	v24 =	vsel vm2, v11, v24;
	v25 =	vsel vm1, v11, v25  }
0xd1: {  	v29 =	vsel vm10, v11, v29;
	vm1 =	vgt.f32 v17, v4;
	vm2 =	vgt.f32 v15, v4  }
0xd2: {  	v28 =	vsel vm0, v11, v28;
	vm0 =	vgt.f32 v16, v4;
	v24 =	vsel vm1, v12, v24  }
0xd3: {  	v25 =	vsel vm2, v12, v25;
	vm1 =	vgt.f32 v16, v5;
	vm2 =	vgt.f32 v17, v5  }
0xd4: {  	v30 =	vsel vm0, v12, v22;
	vm0 =	vgt.f32 v21, v4;
	v63 =	vsel vm12, v12, v28  }
0xd5: {  	v27 =	vsel vm2, v13, v24;
	v25 =	vsel vm3, v13, v25;
	v22 =	vsel vm0, v12, v29  }
0xd6: {  	s28 =	simm.s32 $0x400;
	s26 =	simm.s32 $0x80;
	v28 =	vsel vm1, v13, v30;
	vm0 =	vgt.f32 v21, v5;
	v24 =	vsel vm15, v13, v63  }
.LBB2_5:
0xd7: {  	p1 =	sne.s32 s28, $0xFE00;
	v29 =	vld [tilespmem:s26+$0x4870];
	vm1 =	vgt.f32 v16, v6;
	vm2 =	vgt.f32 v17, v6;
	v22 =	vsel vm0, v13, v22  }
0xd8: {  	vm0 =	vgt.f32 v15, v6;
	vm3 =	vgt.f32 v18, v6;
	vm4 =	vgt.f32 v19, v6;
	v16 =	vld [tilespmem:s26+$0x4800]  }
0xd9: {  	vm5 =	vgt.f32 v21, v6;
	v18 =	vsel vm1, v14, v28;
	vm1 =	vgt.f32 v20, v6;
	v17 =	vld [tilespmem:s26+$0x4810]  }
0xda: {  	v19 =	vsel vm2, v14, v27;
	v20 =	vsel vm0, v14, v25;
	v21 =	vsel vm3, v14, v26;
	v15 =	vld [tilespmem:s26+$0x4820];
	[tilespmem:s25+$0xC800] =	vst v18  }
0xdb: {  	v23 =	vsel vm4, v14, v23;
	v22 =	vsel vm5, v14, v22;
	v24 =	vsel vm1, v14, v24;
	v18 =	vld [tilespmem:s26+$0x4830];
	[tilespmem:s25+$0xC810] =	vst v19  }
0xdc: {  	v19 =	vld [tilespmem:s26+$0x4840];
	vm0 =	vgt.f32 v29, v0;
	[tilespmem:s25+$0xC820] =	vst v20  }
0xdd: {  	vm1 =	vgt.f32 v16, v0;
	v20 =	vld [tilespmem:s26+$0x4850];
	v25 =	vsel vm0, v8, v7;
	vm0 =	vgt.f32 v29, v1;
	[tilespmem:s25+$0xC830] =	vst v21  }
0xde: {  	vm2 =	vgt.f32 v17, v0;
	v21 =	vld [tilespmem:s26+$0x4860];
	v25 =	vsel vm0, v9, v25;
	vm0 =	vgt.f32 v29, v2;
	[tilespmem:s25+$0xC840] =	vst v23  }
0xdf: {  	vm3 =	vgt.f32 v15, v0;
	v23 =	vsel vm0, v10, v25;
	vm0 =	vgt.f32 v29, v3;
	[tilespmem:s25+$0xC850] =	vst v24  }
0xe0: {  	vm4 =	vgt.f32 v18, v0;
	v23 =	vsel vm0, v11, v23;
	vm0 =	vgt.f32 v29, v4;
	[tilespmem:s25+$0xC860] =	vst v22;
	s25 =	smov.u32 s26  }
0xe1: {  	vm5 =	vgt.f32 v19, v0;
	v22 =	vsel vm0, v12, v23;
	vm0 =	vgt.f32 v29, v5  }
0xe2: {  	vm6 =	vgt.f32 v20, v0;
	v22 =	vsel vm0, v13, v22;
	vm0 =	vgt.f32 v29, v6  }
0xe3: {  	v23 =	vsel vm1, v8, v7;
	vm1 =	vgt.f32 v21, v0;
	v22 =	vsel vm0, v14, v22  }
0xe4: {  	v24 =	vsel vm2, v8, v7;
	v25 =	vsel vm3, v8, v7;
	v26 =	vsel vm4, v8, v7;
	[tilespmem:s25+$0xC870] =	vst v22  }
0xe5: {  	v27 =	vsel vm6, v8, v7;
	v22 =	vsel vm5, v8, v7;
	v28 =	vsel vm1, v8, v7  }
0xe6: {  	vm2 =	vgt.f32 v15, v1;
	vm0 =	vgt.f32 v16, v1;
	vm1 =	vgt.f32 v17, v1  }
0xe7: {  	vm3 =	vgt.f32 v18, v1;
	vm4 =	vgt.f32 v19, v1;
	vm5 =	vgt.f32 v20, v1  }
0xe8: {  	v23 =	vsel vm0, v9, v23;
	vm0 =	vgt.f32 v21, v1;
	v24 =	vsel vm1, v9, v24  }
0xe9: {  	v25 =	vsel vm2, v9, v25;
	v26 =	vsel vm3, v9, v26;
	v22 =	vsel vm4, v9, v22  }
0xea: {  	vm1 =	vgt.f32 v16, v2;
	v27 =	vsel vm5, v9, v27;
	v28 =	vsel vm0, v9, v28  }
0xeb: {  	vm2 =	vgt.f32 v15, v2;
	vm3 =	vgt.f32 v18, v2;
	vm0 =	vgt.f32 v17, v2  }
0xec: {  	vm6 =	vgt.f32 v21, v2;
	vm4 =	vgt.f32 v19, v2;
	vm5 =	vgt.f32 v20, v2  }
0xed: {  	v25 =	vsel vm2, v10, v25;
	v23 =	vsel vm1, v10, v23;
	v24 =	vsel vm0, v10, v24  }
0xee: {  	v26 =	vsel vm3, v10, v26;
	v22 =	vsel vm4, v10, v22;
	v27 =	vsel vm5, v10, v27  }
0xef: {  	vm0 =	vgt.f32 v16, v3;
	vm1 =	vgt.f32 v17, v3;
	v28 =	vsel vm6, v10, v28  }
0xf0: {  	vm2 =	vgt.f32 v15, v3;
	vm3 =	vgt.f32 v18, v3;
	vm4 =	vgt.f32 v19, v3  }
0xf1: {  	vm5 =	vgt.f32 v21, v3;
	v23 =	vsel vm0, v11, v23;
	vm0 =	vgt.f32 v20, v3  }
0xf2: {  	v25 =	vsel vm2, v11, v25;
	v26 =	vsel vm3, v11, v26;
	v24 =	vsel vm1, v11, v24  }
0xf3: {  	v22 =	vsel vm4, v11, v22;
	v28 =	vsel vm5, v11, v28;
	v27 =	vsel vm0, v11, v27  }
0xf4: {  	vm2 =	vgt.f32 v15, v4;
	vm1 =	vgt.f32 v17, v4;
	vm0 =	vgt.f32 v16, v4  }
0xf5: {  	vm3 =	vgt.f32 v18, v4;
	vm4 =	vgt.f32 v19, v4;
	vm5 =	vgt.f32 v20, v4  }
0xf6: {  	v24 =	vsel vm1, v12, v24;
	v23 =	vsel vm0, v12, v23;
	vm0 =	vgt.f32 v21, v4  }
0xf7: {  	v25 =	vsel vm2, v12, v25;
	v26 =	vsel vm3, v12, v26;
	v29 =	vsel vm4, v12, v22  }
.Ltmp1:
0xf8: {  	vm1 =	vgt.f32 v16, v5;
	v30 =	vsel vm5, v12, v27;
	v22 =	vsel vm0, v12, v28;
	(pc) =	sbr.rel @p1 .LBB2_5-.Ltmp1, $4  }
0xf9: {  	vm2 =	vgt.f32 v17, v5;
	vm3 =	vgt.f32 v15, v5;
	vm4 =	vgt.f32 v18, v5  }
0xfa: {  	vm6 =	vgt.f32 v20, v5;
	vm5 =	vgt.f32 v19, v5;
	vm0 =	vgt.f32 v21, v5  }
0xfb: {  	v25 =	vsel vm3, v13, v25;
	v27 =	vsel vm2, v13, v24;
	v28 =	vsel vm1, v13, v23  }
0xfc: {  	s26 =	sshra.s32 s28, $0x2;
	s28 =	sadd.s32 $0x200, s28;
	v26 =	vsel vm4, v13, v26;
	v23 =	vsel vm5, v13, v29;
	v24 =	vsel vm6, v13, v30  }
0xfd: {  	v29 =	vld [tilespmem:s26+$0x4870]  }
0xfe: {  	v30 =	vld [tilespmem:s26+$0x4800];
	vm1 =	vgt.f32 v16, v6;
	vm5 =	vgt.f32 v17, v6;
	v22 =	vsel vm0, v13, v22  }
0xff: {  	v43 =	vld [tilespmem:s26+$0x4810];
	vm6 =	vgt.f32 v15, v6;
	vm7 =	vgt.f32 v18, v6;
	v28 =	vsel vm1, v14, v28  }
0x100: {  	v31 =	vld [tilespmem:s26+$0x4820];
	vm2 =	vgt.f32 v19, v6;
	vm8 =	vgt.f32 v20, v6;
	v17 =	vsel vm5, v14, v27;
	[tilespmem:s25+$0xC800] =	vst v28  }
0x101: {  	vm3 =	vgt.f32 v21, v6;
	v15 =	vsel vm6, v14, v25;
	v18 =	vsel vm7, v14, v26;
	v44 =	vld [tilespmem:s26+$0x4830];
	[tilespmem:s25+$0xC810] =	vst v17  }
0x102: {  	v45 =	vsel vm8, v14, v24;
	v21 =	vsel vm3, v14, v22;
	v17 =	vld [tilespmem:s26+$0x4840];
	[tilespmem:s25+$0xC820] =	vst v15;
	v15 =	vsel vm2, v14, v23  }
0x103: {  	vm9 =	vgt.f32 v29, v0;
	vm10 =	vgt.f32 v29, v1;
	vm11 =	vgt.f32 v30, v0  }
0x104: {  	vm12 =	vgt.f32 v29, v2;
	vm13 =	vgt.f32 v43, v0;
	vm14 =	vgt.f32 v29, v3  }
0x105: {  	vm15 =	vgt.f32 v31, v0;
	vm8 =	vgt.f32 v29, v4;
	v47 =	vsel vm9, v8, v7  }
0x106: {  	vm9 =	vgt.f32 v29, v5;
	v48 =	vsel vm11, v8, v7;
	v49 =	vsel vm13, v8, v7  }
0x107: {  	v46 =	vld [tilespmem:s26+$0x4850];
	v50 =	vsel vm15, v8, v7;
	vm13 =	vgt.f32 v43, v1;
	v22 =	vsel vm10, v9, v47  }
0x108: {  	vm10 =	vgt.f32 v29, v6;
	v24 =	vsel vm13, v9, v49;
	v22 =	vsel vm12, v10, v22  }
0x109: {  	[tilespmem:s25+$0xC830] =	vst v18;
	vm4 =	vgt.f32 v44, v0;
	vm12 =	vgt.f32 v30, v1;
	vm15 =	vgt.f32 v44, v1  }
0x10a: {  	v18 =	vld [tilespmem:s26+$0x4860];
	v22 =	vsel vm14, v11, v22;
	vm5 =	vgt.f32 v17, v0;
	v51 =	vsel vm4, v8, v7  }
0x10b: {  	vm14 =	vgt.f32 v31, v1;
	v23 =	vsel vm12, v9, v48;
	vm12 =	vgt.f32 v17, v2  }
0x10c: {  	v22 =	vsel vm8, v12, v22;
	vm6 =	vgt.f32 v46, v0;
	v52 =	vsel vm5, v8, v7  }
0x10d: {  	vm5 =	vgt.f32 v17, v1;
	v25 =	vsel vm14, v9, v50;
	v26 =	vsel vm15, v9, v51  }
0x10e: {  	vm8 =	vgt.f32 v30, v2;
	vm13 =	vgt.f32 v46, v2;
	vm15 =	vgt.f32 v30, v3  }
0x10f: {  	v22 =	vsel vm9, v13, v22;
	vm11 =	vgt.f32 v18, v0;
	v53 =	vsel vm6, v8, v7  }
0x110: {  	vm6 =	vgt.f32 v46, v1;
	vm7 =	vgt.f32 v18, v1;
	v28 =	vsel vm5, v9, v52  }
0x111: {  	vm9 =	vgt.f32 v43, v2;
	v23 =	vsel vm8, v10, v23;
	vm14 =	vgt.f32 v18, v2  }
0x112: {  	vm8 =	vgt.f32 v44, v3;
	v22 =	vsel vm10, v14, v22;
	v32 =	vsel vm11, v8, v7  }
0x113: {  	v29 =	vsel vm6, v9, v53;
	vm10 =	vgt.f32 v31, v2;
	vm11 =	vgt.f32 v44, v2  }
0x114: {  	v24 =	vsel vm9, v10, v24;
	v28 =	vsel vm12, v10, v28;
	vm6 =	vgt.f32 v43, v3  }
0x115: {  	v23 =	vsel vm15, v11, v23;
	vm9 =	vgt.f32 v17, v3;
	vm12 =	vgt.f32 v30, v4  }
0x116: {  	vm15 =	vgt.f32 v44, v4;
	v32 =	vsel vm7, v9, v32;
	v25 =	vsel vm10, v10, v25  }
0x117: {  	v26 =	vsel vm11, v10, v26;
	v29 =	vsel vm13, v10, v29;
	vm7 =	vgt.f32 v31, v3  }
0x118: {  	v24 =	vsel vm6, v11, v24;
	vm10 =	vgt.f32 v46, v3;
	vm11 =	vgt.f32 v18, v3  }
0x119: {  	v28 =	vsel vm9, v11, v28;
	vm13 =	vgt.f32 v43, v4;
	v23 =	vsel vm12, v12, v23  }
0x11a: {  	vm6 =	vgt.f32 v17, v4;
	vm9 =	vgt.f32 v30, v5;
	vm12 =	vgt.f32 v44, v5  }
0x11b: {  	v32 =	vsel vm14, v10, v32;
	v25 =	vsel vm7, v11, v25;
	v26 =	vsel vm8, v11, v26  }
0x11c: {  	v29 =	vsel vm10, v11, v29;
	vm14 =	vgt.f32 v31, v4;
	v24 =	vsel vm13, v12, v24  }
0x11d: {  	vm7 =	vgt.f32 v46, v4;
	vm8 =	vgt.f32 v18, v4;
	v28 =	vsel vm6, v12, v28  }
0x11e: {  	vm10 =	vgt.f32 v43, v5;
	vm13 =	vgt.f32 v17, v5;
	v54 =	vsel vm9, v13, v23  }
0x11f: {  	[tilespmem:s25+$0xC840] =	vst v15;
	vm9 =	vgt.f32 v30, v6;
	v32 =	vsel vm11, v11, v32;
	v25 =	vsel vm14, v12, v25  }
0x120: {  	[tilespmem:s25+$0xC850] =	vst v45;
	v26 =	vsel vm15, v12, v26;
	v29 =	vsel vm7, v12, v29;
	vm11 =	vgt.f32 v31, v5  }
0x121: {  	[tilespmem:s25+$0xC860] =	vst v21;
	vm14 =	vgt.f32 v46, v5;
	vm15 =	vgt.f32 v18, v5;
	v55 =	vsel vm10, v13, v24  }
0x122: {  	[tilespmem:s26+$0xC870] =	vst v22;
	vm10 =	vgt.f32 v43, v6;
	v56 =	vsel vm9, v14, v54;
	v60 =	vsel vm13, v13, v28  }
0x123: {  	vm13 =	vgt.f32 v17, v6;
	v15 =	vsel vm8, v12, v32;
	[tilespmem:s26+$0xC800] =	vst v56;
	v58 =	vsel vm10, v14, v55  }
0x124: {  	v57 =	vsel vm11, v13, v25;
	vm11 =	vgt.f32 v31, v6;
	v16 =	vsel vm13, v14, v60;
	[tilespmem:s26+$0xC810] =	vst v58  }
0x125: {  	v59 =	vsel vm12, v13, v26;
	vm12 =	vgt.f32 v44, v6;
	v19 =	vsel vm11, v14, v57;
	[tilespmem:s26+$0xC840] =	vst v16  }
0x126: {  	v62 =	vsel vm14, v13, v29;
	vm14 =	vgt.f32 v46, v6;
	v61 =	vsel vm12, v14, v59;
	[tilespmem:s26+$0xC820] =	vst v19  }
0x127: {  	s23 =	sadd.s32 @!p0 s23, s10;
	v15 =	vsel vm15, v13, v15;
	vm15 =	vgt.f32 v18, v6;
	v63 =	vsel vm14, v14, v62;
	[tilespmem:s26+$0xC830] =	vst v61  }
0x128: {  	s22 =	sadd.s32 $0x1, s22;
	s23 =	sshrl.u32 @!p0 s23, $0x3;
	v15 =	vsel vm15, v14, v15;
	[tilespmem:s26+$0xC850] =	vst v63  }
0x129: {  	s23 =	sadd.s32 @!p0 s2, s23;
	s25 =	simm.s32 @!p0 $0x0;
	[tilespmem:s26+$0xC860] =	vst v15;
	s26 =	simm.s32 @!p0 $0x4800  }
0x12a: {  	[tilespmem:s26], [sflag:$0x3] =	stream.linear.gather @!p0 [hbm4b:s23+s25], $0x4000, $0x38;
	[tilespmem:$0x10800] =	vst v63  }
0x12b: {  	p0 =	sne.s32 s22, $0x40  }
.Ltmp2:
0x12c: {  	_ = 	snop;
	(pc) =	sbr.rel @p0 .LBB2_2-.Ltmp2, $4  }
0x12d: {  	_ = 	snop  }
0x12e: {  	s31 =	sadd.s32 s24, s6  }
0x12f: {  	s23 =	sadd.s32 $0x800, s31  }
0x130: {  	[hbm4b:s23+s4] =	stream.linear.scatter [tilespmem:s18], [sflag:$0x5], $0x4000, $0x38;
	[tilespmem:$0x10800] =	vst v63  }
0x131: {  	s21 =	sadd.s32 $0x1, s21  }
0x132: {  	_ =	swait.ge [sflag:s19], $0x4000;
	p0 =	sne.s32 s21, s11  }
.Ltmp3:
0x133: {  	[sflag:s19] =	ssyncset.done $0x0;
	(pc) =	sbr.rel @p0 .LBB2_1-.Ltmp3, $4  }
0x134: {  	[sflag:s19] =	ssyncadd.s32 $0xFFFFC000  }
0x135: {  	_ =	swait.ge [sflag:s20], $0x4000  }
0x136: {  	[sflag:s20] =	ssyncset.done $0x0  }
0x137: {  	[sflag:s20] =	ssyncadd.s32 $0xFFFFC000  }
0x138: {  	_ =	sfence.sel $0x180000  }
0x139: {  	[bflag:$0x0] =	sbarrier.arrive $0xFFFF  }
0x13a: {  	p0 =	sne.s32 s1, $0x0;
	_ =	strace $0x9000004A  }
0x13b: {  	s0 =	sadd.s32 @!p0 $0x100000, s0;
	[bflag:$0x2] =	sbarrier.arrive $0xFFFF  }
0x13c: {  	[sflag:s0] =	ssyncadd.tile.s32 @!p0 $0x1;
	_ =	shalt  }
.Lfunc_end2:
_tile_overlayer_lowered:
.L_overlay_start_2:
0x13d: {  	(tag) =	ssettag $0x2  }
0x13e: {  	s0 =	rddreg [dreg:$0x0];
	s2 =	stileid.u32  }
0x13f: {  	s1 =	rddreg [dreg:$0x1];
	p0 =	sne.s32 s2, $0x0  }
0x140: {  	s3 =	rddreg [dreg:$0x2];
	[bflag:$0x3] =	sbarrier.arrive $0xFFFF;
	s2 =	simm.s32 @!p0 $0x1C06  }
0x141: {  	[timem:s3], [sflag:s2] =	dma.local @!p0 [hbm:s0], s1  }
0x142: {  	s0 =	simm.s32 @!p0 $0x6  }
0x143: {  	_ =	swait.ge @!p0 [sflag:s0], s1  }
0x144: {  	s1 =	ssub.s32 @!p0 $0x0, s1;
	[sflag:s0] =	ssyncset.done @!p0 $0x0  }
0x145: {  	[sflag:s0] =	ssyncadd.s32 @!p0 s1  }
0x146: {  	[bflag:$0x3] =	sbarrier.arrive $0xFFFF  }
0x147: {  	_ =	shalt  }

// kernel: sparse-core-data-format-call.cloned.1.call-start
scs
called_computation_lowered:
.L_overlay_start_0:
0x0: {  	s2 =	sld [smem:$0x3FD9]  }
0x1: {  	s3 =	sld [smem:$0x3FFE];
	_ =	sdelay $0x1  }
0x2: {  	s1 =	srdreg.scid  }
0x3: {  	s0 =	sand.u32 $0x1, s1  }
0x4: {  	s19 =	sshll.u32 s0, $0xA;
	s2 =	sadd.s32 s3, s2  }
0x5: {  	s2 =	sadd.s32 s2, s19  }
0x6: {  	[smem:$0x3FC6] =	sst s2  }
0x7: {  	_ = 	snop  }
0x8: {  	s2 =	sld [smem:$0x3FC9]  }
0x9: {  	s20 =	sld [smem:$0x3FD0];
	(tm) =	ssettm $0x1  }
0xa: {  	s4 =	sld [smem:$0x3FFB];
	_ =	sdelay $0x3  }
0xb: {  	_ =	strace s4  }
0xc: {  	s4 =	sld [smem:$0x3FFC];
	_ =	sdelay $0x3  }
0xd: {  	_ =	strace s4  }
0xe: {  	s4 =	sld [smem:$0x3FFD];
	_ =	sdelay $0x3  }
0xf: {  	_ =	strace s4  }
0x10: {  	_ =	strace $0x8FFFFFFF  }
0x11: {  	s21 =	sld [smem:$0x3FDB];
	_ =	sdelay $0x1  }
0x12: {  	s5 =	simm.s32 $_scs_section_size  }
0x13: {  	s6 =	simm.s32 $_size__tile_overlayer_lowered;
	s7 =	simm.s32 $_tile_overlayer_lowered  }
0x14: {  	s24 =	simm.s32 $0x1BFF;
	s23 =	sshll.u32 s7, $0x1;
	s4 =	sadd.s32 s5, s21  }
0x15: {  	s8 =	simm.s32 $0x0;
	s22 =	sshll.u32 s6, $0x1;
	s6 =	sadd.s32 s23, s4  }
0x16: {  	[timem:s8], [sflag:s24] =	dma.local [hbm:s6], s22  }
0x17: {  	_ =	swait.ge [sflag:s24], s22  }
0x18: {  	s5 =	ssub.s32 $0x0, s22;
	[sflag:s24] =	ssyncset.done $0x0  }
0x19: {  	[sflag:s24] =	ssyncadd.s32 s5;
	_ =	sdelay $0x1  }
0x1a: {  	s25 =	simm.s32 $0x1B8B  }
0x1b: {  	_ =	swait.ge [sflag:s25], $0x1  }
0x1c: {  	[sflag:s25] =	ssyncset.done $0x0  }
0x1d: {  	s26 =	simm.s32 $0x1B8E;
	[sflag:s25] =	ssyncadd.s32 $0xFFFFFFFF  }
0x1e: {  	s27 =	simm.s32 $execute0_lowered;
	[smem:$0x3FD2] =	sst s26  }
0x1f: {  	s5 =	sshll.u32 s27, $0x1;
	_ =	strace $0x80000046;
	[dreg:$0x1] =	wrdreg $0xFFFFFFFF  }
0x20: {  	s28 =	simm.s32 $_size_execute0_lowered;
	s4 =	sadd.s32 s4, s5;
	[dreg:$0x0] =	wrdreg $0x0  }
0x21: {  	s5 =	sshll.u32 s28, $0x1;
	[dreg:$0x2] =	wrdreg s4  }
0x22: {  	[dreg:$0x3] =	wrdreg s5  }
0x23: {  	[dreg:$0x4] =	wrdreg $0xC0  }
0x24: {  	_ =	task [dreg:s8], $0x5FFFF  }
0x25: {  	[dreg:$0x1] =	wrdreg $0xFFFFFFFF  }
0x26: {  	[dreg:$0x0] =	wrdreg $0x60  }
0x27: {  	[dreg:$0x2] =	wrdreg s2  }
0x28: {  	[dreg:$0x3] =	wrdreg s20  }
0x29: {  	[dreg:$0x4] =	wrdreg $0x9  }
0x2a: {  	_ =	task.clear_ibuf [dreg:s8], $0x5FFFF;
	_ =	strace $0x90000046  }
0x2b: {  	s29 =	simm.s32 $0x9;
	_ =	strace $0x80000048  }
0x2c: {  	_ =	swait.ge [sflag:s29], $0x1  }
0x2d: {  	[sflag:s29] =	ssyncadd.s32 $0xFFFFFFFF  }
0x2e: {  	_ =	strace $0x90000048  }
0x2f: {  	_ =	sfence  }
0x30: {  	s30 =	sld [smem:$0x0];
	_ =	sdelay $0x2  }
0x31: {  	s31 =	sshll.u32 s1, $0xD;
	s1 =	sshrl.u32 s1, $0x2  }
0x32: {  	s3 =	sand.u32 $0x4000, s31;
	s1 =	sadd.s32 s1, s30  }
0x33: {  	s0 =	sor.u32 s3, s0;
	s1 =	sshll.u32 s1, $0x11  }
0x34: {  	s0 =	sor.u32 s1, s0  }
0x35: {  	s0 =	sadd.s32 $0x8F2B, s0  }
0x36: {  	[sflag:s0] =	ssyncadd.remote.s32 $0x1  }
0x37: {  	_ =	sfence.sel $0xFFFF  }
0x38: {  	[dreg:$0x0] =	wrdreg $0xFFFFFFFF;
	(pc) =	sbr.abs _section_cstart, $3  }
0x39: {  	[dreg:$0x1] =	wrdreg $0xFFFFFFFF  }
0x3a: {  	_ =	task.clear_ibuf [dreg:s8], $0x2FFFF;
	_ =	strace $0x9FFFFFFF  }
0x3b: {  	(tm) =	ssettm $0x7FFFFFFF  }
tec
execute0_lowered:
.L_overlay_start_1:
0x0: {  	(tag) =	ssettag $0x1  }
0x1: {  	s2 =	rddreg [dreg:$0x0]  }
0x2: {  	s3 =	rddreg [dreg:$0x1]  }
0x3: {  	s0 =	rddreg [dreg:$0x2];
	s4 =	srdreg.scid  }
.Ltmp0:
0x4: {  	_ =	strace $0x80000047;
	s1 =	stileid.u32;
	(pc) =	sbr.rel .LBB1_1-.Ltmp0, $4  }
0x5: {  	s6 =	simm.s32 $0x2;
	p0 =	por $0x0, $0x0;
	s5 =	sshll.u32 s4, $0x4  }
0x6: {  	s9 =	simm.s32 $0x0;
	s4 =	simm.s32 $0x1;
	s5 =	sand.u32 $0x10, s5  }
0x7: {  	s7 =	simm.s32 $0x0;
	[sflag:s4] =	ssyncpa.u1 $0x0;
	s5 =	sor.u32 s1, s5  }
0x8: {  	[sflag:s6] =	ssyncpa.u1 $0x0;
	s6 =	simm.s32 $0x0;
	s8 =	smov.u32 s5  }
.LBB1_7:
0x9: {  	s11 =	sadd.s32 $0x20, s8  }
0xa: {  	p1 =	slt.u32 s7, $0x2;
	s7 =	sadd.s32 $0x1, s7;
	p2 =	sgt.s32 s11, $0xFFF  }
0xb: {  	s11 =	smov.u32 @p2 s5;
	p2 =	sne.s32 s7, $0x82  }
.Ltmp1:
0xc: {  	_ = 	snop;
	(pc) =	sbr.rel @!p2 .LBB1_8-.Ltmp1, $4  }
0xd: {  	s10 =	simm.s32 @!p1 $0x2  }
0xe: {  	_ =	swait.ge @!p1 [sflag:s10], $0x4000  }
0xf: {  	s9 =	smov.u32 s8;
	[sflag:s10] =	ssyncset.done @!p1 $0x0  }
0x10: {  	p0 =	por !p0, !p0;
	s8 =	smov.u32 s11;
	[sflag:s10] =	ssyncadd.s32 @!p1 $0xFFFFC000  }
.LBB1_1:
0x11: {  	p1 =	sgt.u32 s7, $0x7F  }
0x12: {  	s10 =	sxor.u32 @!p1 $0xFFFFFFFF, s7  }
0x13: {  	s11 =	sshll.u32 @!p1 s8, $0xB;
	s10 =	sshll.u32 @!p1 s10, $0xE  }
0x14: {  	s12 =	simm.s32 @!p1 $0x0;
	s11 =	sadd.s32 @!p1 s2, s11;
	s10 =	sand.u32 @!p1 $0x4000, s10  }
0x15: {  	[tilespmem:s10], [sflag:$0x1] =	stream.linear.gather @!p1 [hbm4b:s11+s12], $0x4000, $0x38;
	[tilespmem:$0x10000] =	vst v63  }
0x16: {  	p1 =	seq.s32 s7, $0x0  }
0x17: {  	p2 =	seq.s32 @!p1 s7, $0x81  }
0x18: {  	p1 =	por p1, p2  }
.Ltmp2:
0x19: {  	_ = 	snop;
	(pc) =	sbr.rel @p1 .LBB1_7-.Ltmp2, $1  }
0x1a: {  	_ =	sdelay $0x3  }
0x1b: {  	s10 =	simm.s32 $0x1;
	_ =	swait.ge [sflag:s4], $0x4000;
	s12 =	sshll.u32 s7, $0xE  }
0x1c: {  	s13 =	simm.s32 $0x0;
	s10 =	simm.s32 @!p0 $0x0;
	[sflag:s4] =	ssyncset.done $0x0  }
0x1d: {  	s12 =	sand.u32 $0x4000, s12;
	s11 =	sshll.u32 s10, $0xE;
	[sflag:s4] =	ssyncadd.s32 $0xFFFFC000  }
0x1e: {  	s12 =	sor.u32 $0x8000, s12;
	s10 =	sor.u32 $0x8040, s11;
	s11 =	sor.u32 $0x40, s11  }
.LBB1_3:
0x1f: {  	v0 =	vmov s11;
	_ =	sdelay $0x3  }
0x20: {  	s15 =	simm.s32 $0x0  }
0x21: {  	v6 =	vld.idx.msk [tilespmem:v0+s15+$0x30 ss:$0x1], $0xffff  }
0x22: {  	v7 =	vld.idx.msk [tilespmem:v0+s15+$0xFFFFFFC0 ss:$0x1], $0xffff  }
0x23: {  	v5 =	vld.idx.msk [tilespmem:v0+s15+$0xFFFFFFD0 ss:$0x1], $0xffff  }
0x24: {  	v4 =	vld.idx.msk [tilespmem:v0+s15+$0xFFFFFFE0 ss:$0x1], $0xffff  }
0x25: {  	v3 =	vld.idx.msk [tilespmem:v0+s15+$0xFFFFFFF0 ss:$0x1], $0xffff  }
0x26: {  	v1 =	vld.idx.msk [tilespmem:v0+s15+$0x0 ss:$0x1], $0xffff  }
0x27: {  	v2 =	vld.idx.msk [tilespmem:v0+s15+$0x10 ss:$0x1], $0xffff;
	[tilespmem:s10+$0x30] =	vst v6  }
0x28: {  	s14 =	simm.s32 $0x80;
	s16 =	simm.s32 $0x400;
	[tilespmem:s10+$0xFFFFFFC0] =	vst v7;
	v6 =	vld.idx.msk [tilespmem:v0+s15+$0x20 ss:$0x1], $0xffff;
	s15 =	smov.u32 s10  }
.LBB1_4:
0x29: {  	p1 =	sne.s32 s16, $0xE00;
	v7 =	vld.idx.msk [tilespmem:v0+s14+$0x30 ss:$0x1], $0xffff;
	[tilespmem:s15+$0xFFFFFFD0] =	vst v5  }
0x2a: {  	v8 =	vld.idx.msk [tilespmem:v0+s14+$0xFFFFFFC0 ss:$0x1], $0xffff;
	[tilespmem:s15+$0xFFFFFFE0] =	vst v4  }
0x2b: {  	v5 =	vld.idx.msk [tilespmem:v0+s14+$0xFFFFFFD0 ss:$0x1], $0xffff;
	[tilespmem:s15+$0xFFFFFFF0] =	vst v3  }
.Ltmp3:
0x2c: {  	v4 =	vld.idx.msk [tilespmem:v0+s14+$0xFFFFFFE0 ss:$0x1], $0xffff;
	[tilespmem:s15+$0x0] =	vst v1;
	(pc) =	sbr.rel @p1 .LBB1_4-.Ltmp3, $4  }
0x2d: {  	v3 =	vld.idx.msk [tilespmem:v0+s14+$0xFFFFFFF0 ss:$0x1], $0xffff;
	[tilespmem:s15+$0x10] =	vst v2  }
0x2e: {  	v1 =	vld.idx.msk [tilespmem:v0+s14+$0x0 ss:$0x1], $0xffff;
	[tilespmem:s15+$0x20] =	vst v6;
	s15 =	sadd.s32 $0x800, s15  }
0x2f: {  	v2 =	vld.idx.msk [tilespmem:v0+s14+$0x10 ss:$0x1], $0xffff;
	[tilespmem:s15+$0x30] =	vst v7  }
0x30: {  	[tilespmem:s15+$0xFFFFFFC0] =	vst v8;
	v6 =	vld.idx.msk [tilespmem:v0+s14+$0x20 ss:$0x1], $0xffff;
	s14 =	sshra.s32 s16, $0x2;
	s16 =	sadd.s32 $0x200, s16  }
0x31: {  	_ =	sdelay $0x2  }
0x32: {  	[tilespmem:s15+$0xFFFFFFD0] =	vst v5  }
0x33: {  	v56 =	vld.idx.msk [tilespmem:v0+s14+$0x30 ss:$0x1], $0xffff;
	[tilespmem:s15+$0xFFFFFFE0] =	vst v4  }
0x34: {  	v57 =	vld.idx.msk [tilespmem:v0+s14+$0xFFFFFFC0 ss:$0x1], $0xffff;
	[tilespmem:s15+$0xFFFFFFF0] =	vst v3  }
0x35: {  	v58 =	vld.idx.msk [tilespmem:v0+s14+$0xFFFFFFD0 ss:$0x1], $0xffff;
	[tilespmem:s15+$0x0] =	vst v1  }
0x36: {  	v59 =	vld.idx.msk [tilespmem:v0+s14+$0xFFFFFFE0 ss:$0x1], $0xffff;
	[tilespmem:s15+$0x10] =	vst v2  }
0x37: {  	v60 =	vld.idx.msk [tilespmem:v0+s14+$0xFFFFFFF0 ss:$0x1], $0xffff;
	s31 =	sadd.s32 $0x800, s15;
	[tilespmem:s15+$0x20] =	vst v6  }
0x38: {  	v61 =	vld.idx.msk [tilespmem:v0+s14+$0x0 ss:$0x1], $0xffff;
	[tilespmem:s31+$0x30] =	vst v56  }
0x39: {  	v62 =	vld.idx.msk [tilespmem:v0+s14+$0x10 ss:$0x1], $0xffff;
	s13 =	sadd.s32 $0x1, s13;
	[tilespmem:s31+$0xFFFFFFC0] =	vst v57  }
0x3a: {  	v63 =	vld.idx.msk [tilespmem:v0+s14+$0x20 ss:$0x1], $0xffff;
	p1 =	sne.s32 s13, $0x10;
	[tilespmem:s31+$0xFFFFFFD0] =	vst v58  }
.Ltmp4:
0x3b: {  	[tilespmem:s31+$0xFFFFFFE0] =	vst v59;
	(pc) =	sbr.rel @p1 .LBB1_3-.Ltmp4, $4  }
0x3c: {  	[tilespmem:s31+$0xFFFFFFF0] =	vst v60  }
0x3d: {  	[tilespmem:s31+$0x0] =	vst v61  }
0x3e: {  	[tilespmem:s31+$0x10] =	vst v62  }
0x3f: {  	s10 =	sadd.s32 $0x80, s10;
	s11 =	sadd.s32 $0x400, s11;
	[tilespmem:s31+$0x20] =	vst v63  }
.Ltmp5:
0x40: {  	(pc) =	sbr.rel .LBB1_7-.Ltmp5, $4  }
0x41: {  	_ = 	snop  }
0x42: {  	s9 =	sshll.u32 s9, $0xB  }
0x43: {  	s9 =	sadd.s32 s3, s9  }
0x44: {  	[hbm4b:s9+s6] =	stream.linear.scatter [tilespmem:s12], [sflag:$0x2], $0x4000, $0x38;
	[tilespmem:$0x10000] =	vst v63  }
.LBB1_8:
0x45: {  	_ =	sfence.sel $0x180000  }
0x46: {  	s2 =	simm.s32 $0x1;
	[bflag:$0x0] =	sbarrier.arrive $0xFFFF  }
0x47: {  	s31 =	simm.s32 $0x2;
	[sflag:s2] =	ssyncpa.u1 $0x1  }
0x48: {  	[sflag:s31] =	ssyncpa.u1 $0x1  }
0x49: {  	p0 =	sne.s32 s1, $0x0;
	_ =	strace $0x90000047  }
0x4a: {  	s0 =	sadd.s32 @!p0 $0x100000, s0;
	[bflag:$0x2] =	sbarrier.arrive $0xFFFF  }
0x4b: {  	[sflag:s0] =	ssyncadd.tile.s32 @!p0 $0x1;
	_ =	shalt  }
.Lfunc_end1:
_tile_overlayer_lowered:
.L_overlay_start_2:
0x4c: {  	(tag) =	ssettag $0x2  }
0x4d: {  	s0 =	rddreg [dreg:$0x0];
	s2 =	stileid.u32  }
0x4e: {  	s1 =	rddreg [dreg:$0x1];
	p0 =	sne.s32 s2, $0x0  }
0x4f: {  	s3 =	rddreg [dreg:$0x2];
	[bflag:$0x3] =	sbarrier.arrive $0xFFFF;
	s2 =	simm.s32 @!p0 $0x1C01  }
0x50: {  	[timem:s3], [sflag:s2] =	dma.local @!p0 [hbm:s0], s1  }
0x51: {  	s0 =	simm.s32 @!p0 $0x1  }
0x52: {  	_ =	swait.ge @!p0 [sflag:s0], s1  }
0x53: {  	s1 =	ssub.s32 @!p0 $0x0, s1;
	[sflag:s0] =	ssyncset.done @!p0 $0x0  }
0x54: {  	[sflag:s0] =	ssyncadd.s32 @!p0 s1  }
0x55: {  	[bflag:$0x3] =	sbarrier.arrive $0xFFFF  }
0x56: {  	_ =	shalt  }

</sc_bundles>
